<compile_context>
chip_gen: v7x
topology: tpu7x:2x2x1
jax: 0.10.2.dev20260603
libtpu: 0.0.44.dev20260713+nightly
codegen_flags: <defaults>
</compile_context>

<pallas_src>
import functools

import jax
import jax.numpy as jnp
from jax import lax
from jax.experimental import pallas as pl
from jax.experimental.pallas import tpu as pltpu
from jax.experimental.pallas import tpu_sc as plsc

_N_NODES = 10000
_N_EDGES = 40000
_IN_F = 64
_OUT_F = 64
_N_REL = 16

_INFO = plsc.get_sparse_core_info()
_NC, _NS = _INFO.num_cores, _INFO.num_subcores
_NW = _NC * _NS
_B_PER_W = 1280
_TAIL = _N_EDGES - (_NW - 1) * _B_PER_W
_CHUNK = 128


def _mm_body(nodes_ref, k2_ref, out_ref):
    out_ref[...] = jnp.dot(
        nodes_ref[...], k2_ref[...], preferred_element_type=jnp.float32
    )


def _build_table(nodes, k2):
    rows_blk = 2000
    return pl.pallas_call(
        _mm_body,
        grid=(_N_NODES // rows_blk,),
        in_specs=[
            pl.BlockSpec((rows_blk, _IN_F), lambda i: (i, 0)),
            pl.BlockSpec((_IN_F, _N_REL * _OUT_F), lambda i: (0, 0)),
        ],
        out_specs=pl.BlockSpec((rows_blk, _N_REL * _OUT_F), lambda i: (i, 0)),
        out_shape=jax.ShapeDtypeStruct((_N_NODES, _N_REL * _OUT_F), jnp.float32),
    )(nodes, k2)


def _do_range(table_hbm, senders_hbm, types_hbm, out_hbm,
              s_v, t_v, idx_v, rows_v, sem, base, n_rows):
    pltpu.sync_copy(senders_hbm.at[pl.ds(base, n_rows)], s_v.at[pl.ds(0, n_rows)])
    pltpu.sync_copy(types_hbm.at[pl.ds(base, n_rows)], t_v.at[pl.ds(0, n_rows)])

    def idx_body(i, _):
        sl = pl.ds(i * 16, 16)
        idx_v[sl] = s_v[sl] * _N_REL + t_v[sl]
        return 0

    lax.fori_loop(0, n_rows // 16, idx_body, 0)

    copies = []
    off = 0
    while off < n_rows:
        c = min(_CHUNK, n_rows - off)
        copies.append(pltpu.async_copy(
            table_hbm.at[idx_v.at[pl.ds(off, c)]],
            rows_v.at[pl.ds(off, c)],
            sem,
        ))
        off += c
    for c in copies:
        c.wait()
    pltpu.sync_copy(rows_v.at[pl.ds(0, n_rows)], out_hbm.at[pl.ds(base, n_rows)])


def _sc_body(table_hbm, senders_hbm, types_hbm, out_hbm,
             s_v, t_v, idx_v, rows_v, sem):
    wid = lax.axis_index("s") * _NC + lax.axis_index("c")
    base = wid * _B_PER_W

    @pl.when(wid < _NW - 1)
    def _full():
        _do_range(table_hbm, senders_hbm, types_hbm, out_hbm,
                  s_v, t_v, idx_v, rows_v, sem, base, _B_PER_W)

    @pl.when(wid == _NW - 1)
    def _tail():
        _do_range(table_hbm, senders_hbm, types_hbm, out_hbm,
                  s_v, t_v, idx_v, rows_v, sem, base, _TAIL)


_sc_gather = functools.partial(
    pl.kernel,
    out_type=jax.ShapeDtypeStruct((_N_EDGES, _OUT_F), jnp.float32),
    mesh=plsc.VectorSubcoreMesh(core_axis_name="c", subcore_axis_name="s"),
    scratch_types=[
        pltpu.VMEM((_B_PER_W,), jnp.int32),
        pltpu.VMEM((_B_PER_W,), jnp.int32),
        pltpu.VMEM((_B_PER_W,), jnp.int32),
        pltpu.VMEM((_B_PER_W, _OUT_F), jnp.float32),
        pltpu.SemaphoreType.DMA,
    ],
    compiler_params=pltpu.CompilerParams(use_tc_tiling_on_sc=False),
)(_sc_body)


def kernel(nodes, senders, edge_types, kernels):
    k2 = kernels.transpose(1, 0, 2).reshape(_IN_F, _N_REL * _OUT_F)
    table = _build_table(nodes, k2).reshape(_N_NODES * _N_REL, _OUT_F)
    return _sc_gather(table, senders, edge_types)

# --- scband reference (transcript-rebuilt; emitter-appended) ---
"""Pipeline reference for scband-relational-update-70978629533888 (READ-ONLY COPY).

The authoritative reference and input builder live on the scoring server;
editing this copy changes nothing except your own understanding.
"""

import jax, jax.numpy as jnp
import numpy as np

N_NODES = 10000
N_EDGES = 40000
IN_FEATURES = 64
OUT_FEATURES = 64
NUM_RELATIONS = 16


def setup_inputs(seed: int = 0) -> dict:
    key = jax.random.key(seed)
    k1, k2, k3, k4 = jax.random.split(key, 4)
    nodes = jax.random.normal(k1, (N_NODES, IN_FEATURES), dtype=jnp.float32)
    senders = jax.random.randint(k2, (N_EDGES,), 0, N_NODES, dtype=jnp.int32)
    edge_types = jax.random.randint(k3, (N_EDGES,), 0, NUM_RELATIONS, dtype=jnp.int32)
    # lecun_normal-style init for the per-relation kernels (fan_in = in_features)
    kernels = jax.random.normal(k4, (NUM_RELATIONS, IN_FEATURES, OUT_FEATURES), dtype=jnp.float32) * (1.0 / np.sqrt(IN_FEATURES))
    return {"nodes": nodes, "senders": senders, "edge_types": edge_types, "kernels": kernels}


def reference(nodes, senders, edge_types, kernels):
    # Gather sender node features per edge: [E, in_features]
    sender_features = nodes[senders]
    # Gather the relation-specific kernel per edge: [E, in_features, out_features]
    edge_kernels = kernels[edge_types]
    # Per-edge matvec: messages[e, f] = sum_i edge_kernels[e, i, f] * sender_features[e, i]
    messages = jnp.einsum('eif,ei->ef', edge_kernels, sender_features)
    return messages

if __name__ == "__main__":
    import jax
    _d = setup_inputs()
    print(jax.jit(kernel)(*tuple(_d.values())))

</pallas_src>

<mosaic_0001>
#map = affine_map<(d0, d1) -> (0, 0)>
#map1 = affine_map<(d0, d1) -> (0)>
module attributes {stable_mosaic.version = 14 : i64} {
  func.func @_sc_body(%arg0: i32, %arg1: i32, %arg2: memref<160000x64xf32, #tpu.memory_space<hbm>>, %arg3: memref<40000xi32, #tpu.memory_space<hbm>>, %arg4: memref<40000xi32, #tpu.memory_space<hbm>>, %arg5: memref<40000x64xf32, #tpu.memory_space<hbm>>, %arg6: memref<1280xi32, #tpu.memory_space<vmem>>, %arg7: memref<1280xi32, #tpu.memory_space<vmem>>, %arg8: memref<1280xi32, #tpu.memory_space<vmem>>, %arg9: memref<1280x64xf32, #tpu.memory_space<vmem>>, %arg10: memref<!tpu.dma_semaphore, #tpu.memory_space<semaphore_mem>>) attributes {dimension_semantics = [#tpu.dimension_semantics<core_parallel>, #tpu.dimension_semantics<subcore_parallel>], iteration_bounds = array<i64: 2, 16>, scalar_prefetch = 0 : i64, scratch_operands = 5 : i64, tpu.core_type = #tpu.core_type<sc_vector_subcore>, window_params = [{transform_indices = #map}, {transform_indices = #map1}, {transform_indices = #map1}, {transform_indices = #map}]} {
    %mul3A = arith.constant 2 : i32
    %mul3A_0 = arith.muli %arg1, %mul3A : i32
    %add3A = arith.addi %mul3A_0, %arg0 : i32
    %mul3A_1 = arith.constant 1280 : i32
    %mul3A_2 = arith.muli %add3A, %mul3A_1 : i32
    %lt3A = arith.constant 31 : i32
    %lt3A_3 = arith.cmpi slt, %add3A, %lt3A : i32
    %convert_element_type3A = arith.extui %lt3A_3 : i1 to i32
    %cond3A = arith.constant 0 : i32
    %cond3A_4 = arith.cmpi ne, %convert_element_type3A, %cond3A : i32
    scf.if %cond3A_4 {
      "tpu.region"() ({
        %run_scoped3A = tpu.sem_alloc : memref<!tpu.dma_semaphore, #tpu.memory_space<semaphore_mem>>
        %dma_start3A_173 = arith.constant 0 : i32
        %dma_start3A_174 = tpu.memref_slice %arg6[%dma_start3A_173] : memref<1280xi32, #tpu.memory_space<vmem>> -> memref<1280xi32, #tpu.memory_space<vmem>>
        %dma_start3A_175 = tpu.memref_slice %arg3[%mul3A_2] : memref<40000xi32, #tpu.memory_space<hbm>> -> memref<1280xi32, #tpu.memory_space<hbm>>
        %dma_start3A_176 = arith.constant 0 : i32
        %dma_start3A_177 = tpu.memref_slice %arg6[%dma_start3A_176] : memref<1280xi32, #tpu.memory_space<vmem>> -> memref<1280xi32, #tpu.memory_space<vmem>>
        %dma_start3A_178 = tpu.memref_slice %arg3[%mul3A_2] : memref<40000xi32, #tpu.memory_space<hbm>> -> memref<1280xi32, #tpu.memory_space<hbm>>
        tpu.enqueue_dma source(%dma_start3A_178 : memref<1280xi32, #tpu.memory_space<hbm>>) target(%dma_start3A_177 : memref<1280xi32, #tpu.memory_space<vmem>>) target_semaphore(%run_scoped3A : memref<!tpu.dma_semaphore, #tpu.memory_space<semaphore_mem>>)
        %dma_wait3A_179 = arith.constant 0 : i32
        %dma_wait3A_180 = tpu.memref_slice %arg6[%dma_wait3A_179] : memref<1280xi32, #tpu.memory_space<vmem>> -> memref<1280xi32, #tpu.memory_space<vmem>>
        %dma_wait3A_181 = tpu.memref_slice %arg3[%mul3A_2] : memref<40000xi32, #tpu.memory_space<hbm>> -> memref<1280xi32, #tpu.memory_space<hbm>>
        %dma_wait3A_182 = arith.constant 0 : i32
        %dma_wait3A_183 = tpu.memref_slice %arg6[%dma_wait3A_182] : memref<1280xi32, #tpu.memory_space<vmem>> -> memref<1280xi32, #tpu.memory_space<vmem>>
        %dma_wait3A_184 = tpu.memref_slice %arg3[%mul3A_2] : memref<40000xi32, #tpu.memory_space<hbm>> -> memref<1280xi32, #tpu.memory_space<hbm>>
        tpu.wait_dma2 semaphore(%run_scoped3A : memref<!tpu.dma_semaphore, #tpu.memory_space<semaphore_mem>>) src(%dma_wait3A_184 : memref<1280xi32, #tpu.memory_space<hbm>>) dst(%dma_wait3A_183 : memref<1280xi32, #tpu.memory_space<vmem>>)
        tpu.yield
      }) : () -> ()
      "tpu.region"() ({
        %run_scoped3A = tpu.sem_alloc : memref<!tpu.dma_semaphore, #tpu.memory_space<semaphore_mem>>
        %dma_start3A_173 = arith.constant 0 : i32
        %dma_start3A_174 = tpu.memref_slice %arg7[%dma_start3A_173] : memref<1280xi32, #tpu.memory_space<vmem>> -> memref<1280xi32, #tpu.memory_space<vmem>>
        %dma_start3A_175 = tpu.memref_slice %arg4[%mul3A_2] : memref<40000xi32, #tpu.memory_space<hbm>> -> memref<1280xi32, #tpu.memory_space<hbm>>
        %dma_start3A_176 = arith.constant 0 : i32
        %dma_start3A_177 = tpu.memref_slice %arg7[%dma_start3A_176] : memref<1280xi32, #tpu.memory_space<vmem>> -> memref<1280xi32, #tpu.memory_space<vmem>>
        %dma_start3A_178 = tpu.memref_slice %arg4[%mul3A_2] : memref<40000xi32, #tpu.memory_space<hbm>> -> memref<1280xi32, #tpu.memory_space<hbm>>
        tpu.enqueue_dma source(%dma_start3A_178 : memref<1280xi32, #tpu.memory_space<hbm>>) target(%dma_start3A_177 : memref<1280xi32, #tpu.memory_space<vmem>>) target_semaphore(%run_scoped3A : memref<!tpu.dma_semaphore, #tpu.memory_space<semaphore_mem>>)
        %dma_wait3A_179 = arith.constant 0 : i32
        %dma_wait3A_180 = tpu.memref_slice %arg7[%dma_wait3A_179] : memref<1280xi32, #tpu.memory_space<vmem>> -> memref<1280xi32, #tpu.memory_space<vmem>>
        %dma_wait3A_181 = tpu.memref_slice %arg4[%mul3A_2] : memref<40000xi32, #tpu.memory_space<hbm>> -> memref<1280xi32, #tpu.memory_space<hbm>>
        %dma_wait3A_182 = arith.constant 0 : i32
        %dma_wait3A_183 = tpu.memref_slice %arg7[%dma_wait3A_182] : memref<1280xi32, #tpu.memory_space<vmem>> -> memref<1280xi32, #tpu.memory_space<vmem>>
        %dma_wait3A_184 = tpu.memref_slice %arg4[%mul3A_2] : memref<40000xi32, #tpu.memory_space<hbm>> -> memref<1280xi32, #tpu.memory_space<hbm>>
        tpu.wait_dma2 semaphore(%run_scoped3A : memref<!tpu.dma_semaphore, #tpu.memory_space<semaphore_mem>>) src(%dma_wait3A_184 : memref<1280xi32, #tpu.memory_space<hbm>>) dst(%dma_wait3A_183 : memref<1280xi32, #tpu.memory_space<vmem>>)
        tpu.yield
      }) : () -> ()
      %scan3A = arith.constant 0 : i32
      %scan3A_9 = arith.constant 0 : i32
      %scan3A_10 = arith.constant 80 : i32
      %scan3A_11 = arith.addi %scan3A_9, %scan3A_10 : i32
      %scan3A_12 = arith.constant 1 : i32
      %scan3A_13 = scf.for %scan3A_173 = %scan3A_9 to %scan3A_11 step %scan3A_12 iter_args(%scan3A_174 = %scan3A) -> (i32)  : i32 {
        %mul3A_175 = arith.constant 16 : i32
        %mul3A_176 = arith.muli %scan3A_173, %mul3A_175 : i32
        %get3A = arith.index_cast %mul3A_176 : i32 to index
        %get3A_177 = tpu.vector_load %arg6[%get3A] {strides = array<i32>} : memref<1280xi32, #tpu.memory_space<vmem>>, vector<16xi32>,
        %get3A_178 = vector.shape_cast %get3A_177 : vector<16xi32> to vector<16xi32>
        %mul3A_179 = arith.constant 16 : i32
        %mul3A_180 = vector.broadcast %mul3A_179 : i32 to vector<16xi32>
        %mul3A_181 = arith.muli %get3A_178, %mul3A_180 : vector<16xi32>
        %get3A_182 = arith.index_cast %mul3A_176 : i32 to index
        %get3A_183 = tpu.vector_load %arg7[%get3A_182] {strides = array<i32>} : memref<1280xi32, #tpu.memory_space<vmem>>, vector<16xi32>,
        %get3A_184 = vector.shape_cast %get3A_183 : vector<16xi32> to vector<16xi32>
        %add3A_185 = arith.addi %mul3A_181, %get3A_184 : vector<16xi32>
        %swap3A = arith.index_cast %mul3A_176 : i32 to index
        %swap3A_186 = tpu.vector_load %arg8[%swap3A] {strides = array<i32>} : memref<1280xi32, #tpu.memory_space<vmem>>, vector<16xi32>,
        %swap3A_187 = vector.shape_cast %swap3A_186 : vector<16xi32> to vector<16xi32>
        %swap3A_188 = vector.shape_cast %add3A_185 : vector<16xi32> to vector<16xi32>
        tpu.vector_store %arg8[%swap3A], %swap3A_188 {strides = array<i32>} : memref<1280xi32, #tpu.memory_space<vmem>>, vector<16xi32>,
        %scan3A_189 = arith.constant 0 : i32
        scf.yield %scan3A_189 : i32
      }
      %scan3A_14 = arith.constant 80 : i32
      %dma_start3A = arith.constant 0 : i32
      %dma_start3A_15 = arith.constant 0 : i32
      %dma_start3A_16 = tpu.memref_slice %arg9[%dma_start3A, %dma_start3A_15] : memref<1280x64xf32, #tpu.memory_space<vmem>> -> memref<128x64xf32, #tpu.memory_space<vmem>>
      %dma_start3A_17 = arith.constant 0 : i32
      %dma_start3A_18 = tpu.memref_slice %arg8[%dma_start3A_17] : memref<1280xi32, #tpu.memory_space<vmem>> -> memref<128xi32, #tpu.memory_space<vmem>>
      %dma_start3A_19 = arith.constant 0 : i32
      %dma_start3A_20 = arith.constant 0 : i32
      %dma_start3A_21 = tpu.memref_slice %arg2[%dma_start3A_19, %dma_start3A_20] : memref<160000x64xf32, #tpu.memory_space<hbm>> -> memref<160000x64xf32, #tpu.memory_space<hbm>>
      tpu.enqueue_indirect_dma source(%dma_start3A_21 : memref<160000x64xf32, #tpu.memory_space<hbm>>) target(%dma_start3A_16 : memref<128x64xf32, #tpu.memory_space<vmem>>) offsets(%dma_start3A_18 : memref<128xi32, #tpu.memory_space<vmem>>) semaphore(%arg10 : memref<!tpu.dma_semaphore, #tpu.memory_space<semaphore_mem>>)
      %dma_start3A_22 = arith.constant 128 : i32
      %dma_start3A_23 = arith.constant 0 : i32
      %dma_start3A_24 = tpu.memref_slice %arg9[%dma_start3A_22, %dma_start3A_23] : memref<1280x64xf32, #tpu.memory_space<vmem>> -> memref<128x64xf32, #tpu.memory_space<vmem>>
      %dma_start3A_25 = arith.constant 128 : i32
      %dma_start3A_26 = tpu.memref_slice %arg8[%dma_start3A_25] : memref<1280xi32, #tpu.memory_space<vmem>> -> memref<128xi32, #tpu.memory_space<vmem>>
      %dma_start3A_27 = arith.constant 0 : i32
      %dma_start3A_28 = arith.constant 0 : i32
      %dma_start3A_29 = tpu.memref_slice %arg2[%dma_start3A_27, %dma_start3A_28] : memref<160000x64xf32, #tpu.memory_space<hbm>> -> memref<160000x64xf32, #tpu.memory_space<hbm>>
      tpu.enqueue_indirect_dma source(%dma_start3A_29 : memref<160000x64xf32, #tpu.memory_space<hbm>>) target(%dma_start3A_24 : memref<128x64xf32, #tpu.memory_space<vmem>>) offsets(%dma_start3A_26 : memref<128xi32, #tpu.memory_space<vmem>>) semaphore(%arg10 : memref<!tpu.dma_semaphore, #tpu.memory_space<semaphore_mem>>)
      %dma_start3A_30 = arith.constant 256 : i32
      %dma_start3A_31 = arith.constant 0 : i32
      %dma_start3A_32 = tpu.memref_slice %arg9[%dma_start3A_30, %dma_start3A_31] : memref<1280x64xf32, #tpu.memory_space<vmem>> -> memref<128x64xf32, #tpu.memory_space<vmem>>
      %dma_start3A_33 = arith.constant 256 : i32
      %dma_start3A_34 = tpu.memref_slice %arg8[%dma_start3A_33] : memref<1280xi32, #tpu.memory_space<vmem>> -> memref<128xi32, #tpu.memory_space<vmem>>
      %dma_start3A_35 = arith.constant 0 : i32
      %dma_start3A_36 = arith.constant 0 : i32
      %dma_start3A_37 = tpu.memref_slice %arg2[%dma_start3A_35, %dma_start3A_36] : memref<160000x64xf32, #tpu.memory_space<hbm>> -> memref<160000x64xf32, #tpu.memory_space<hbm>>
      tpu.enqueue_indirect_dma source(%dma_start3A_37 : memref<160000x64xf32, #tpu.memory_space<hbm>>) target(%dma_start3A_32 : memref<128x64xf32, #tpu.memory_space<vmem>>) offsets(%dma_start3A_34 : memref<128xi32, #tpu.memory_space<vmem>>) semaphore(%arg10 : memref<!tpu.dma_semaphore, #tpu.memory_space<semaphore_mem>>)
      %dma_start3A_38 = arith.constant 384 : i32
      %dma_start3A_39 = arith.constant 0 : i32
      %dma_start3A_40 = tpu.memref_slice %arg9[%dma_start3A_38, %dma_start3A_39] : memref<1280x64xf32, #tpu.memory_space<vmem>> -> memref<128x64xf32, #tpu.memory_space<vmem>>
      %dma_start3A_41 = arith.constant 384 : i32
      %dma_start3A_42 = tpu.memref_slice %arg8[%dma_start3A_41] : memref<1280xi32, #tpu.memory_space<vmem>> -> memref<128xi32, #tpu.memory_space<vmem>>
      %dma_start3A_43 = arith.constant 0 : i32
      %dma_start3A_44 = arith.constant 0 : i32
      %dma_start3A_45 = tpu.memref_slice %arg2[%dma_start3A_43, %dma_start3A_44] : memref<160000x64xf32, #tpu.memory_space<hbm>> -> memref<160000x64xf32, #tpu.memory_space<hbm>>
      tpu.enqueue_indirect_dma source(%dma_start3A_45 : memref<160000x64xf32, #tpu.memory_space<hbm>>) target(%dma_start3A_40 : memref<128x64xf32, #tpu.memory_space<vmem>>) offsets(%dma_start3A_42 : memref<128xi32, #tpu.memory_space<vmem>>) semaphore(%arg10 : memref<!tpu.dma_semaphore, #tpu.memory_space<semaphore_mem>>)
      %dma_start3A_46 = arith.constant 512 : i32
      %dma_start3A_47 = arith.constant 0 : i32
      %dma_start3A_48 = tpu.memref_slice %arg9[%dma_start3A_46, %dma_start3A_47] : memref<1280x64xf32, #tpu.memory_space<vmem>> -> memref<128x64xf32, #tpu.memory_space<vmem>>
      %dma_start3A_49 = arith.constant 512 : i32
      %dma_start3A_50 = tpu.memref_slice %arg8[%dma_start3A_49] : memref<1280xi32, #tpu.memory_space<vmem>> -> memref<128xi32, #tpu.memory_space<vmem>>
      %dma_start3A_51 = arith.constant 0 : i32
      %dma_start3A_52 = arith.constant 0 : i32
      %dma_start3A_53 = tpu.memref_slice %arg2[%dma_start3A_51, %dma_start3A_52] : memref<160000x64xf32, #tpu.memory_space<hbm>> -> memref<160000x64xf32, #tpu.memory_space<hbm>>
      tpu.enqueue_indirect_dma source(%dma_start3A_53 : memref<160000x64xf32, #tpu.memory_space<hbm>>) target(%dma_start3A_48 : memref<128x64xf32, #tpu.memory_space<vmem>>) offsets(%dma_start3A_50 : memref<128xi32, #tpu.memory_space<vmem>>) semaphore(%arg10 : memref<!tpu.dma_semaphore, #tpu.memory_space<semaphore_mem>>)
      %dma_start3A_54 = arith.constant 640 : i32
      %dma_start3A_55 = arith.constant 0 : i32
      %dma_start3A_56 = tpu.memref_slice %arg9[%dma_start3A_54, %dma_start3A_55] : memref<1280x64xf32, #tpu.memory_space<vmem>> -> memref<128x64xf32, #tpu.memory_space<vmem>>
      %dma_start3A_57 = arith.constant 640 : i32
      %dma_start3A_58 = tpu.memref_slice %arg8[%dma_start3A_57] : memref<1280xi32, #tpu.memory_space<vmem>> -> memref<128xi32, #tpu.memory_space<vmem>>
      %dma_start3A_59 = arith.constant 0 : i32
      %dma_start3A_60 = arith.constant 0 : i32
      %dma_start3A_61 = tpu.memref_slice %arg2[%dma_start3A_59, %dma_start3A_60] : memref<160000x64xf32, #tpu.memory_space<hbm>> -> memref<160000x64xf32, #tpu.memory_space<hbm>>
      tpu.enqueue_indirect_dma source(%dma_start3A_61 : memref<160000x64xf32, #tpu.memory_space<hbm>>) target(%dma_start3A_56 : memref<128x64xf32, #tpu.memory_space<vmem>>) offsets(%dma_start3A_58 : memref<128xi32, #tpu.memory_space<vmem>>) semaphore(%arg10 : memref<!tpu.dma_semaphore, #tpu.memory_space<semaphore_mem>>)
      %dma_start3A_62 = arith.constant 768 : i32
      %dma_start3A_63 = arith.constant 0 : i32
      %dma_start3A_64 = tpu.memref_slice %arg9[%dma_start3A_62, %dma_start3A_63] : memref<1280x64xf32, #tpu.memory_space<vmem>> -> memref<128x64xf32, #tpu.memory_space<vmem>>
      %dma_start3A_65 = arith.constant 768 : i32
      %dma_start3A_66 = tpu.memref_slice %arg8[%dma_start3A_65] : memref<1280xi32, #tpu.memory_space<vmem>> -> memref<128xi32, #tpu.memory_space<vmem>>
      %dma_start3A_67 = arith.constant 0 : i32
      %dma_start3A_68 = arith.constant 0 : i32
      %dma_start3A_69 = tpu.memref_slice %arg2[%dma_start3A_67, %dma_start3A_68] : memref<160000x64xf32, #tpu.memory_space<hbm>> -> memref<160000x64xf32, #tpu.memory_space<hbm>>
      tpu.enqueue_indirect_dma source(%dma_start3A_69 : memref<160000x64xf32, #tpu.memory_space<hbm>>) target(%dma_start3A_64 : memref<128x64xf32, #tpu.memory_space<vmem>>) offsets(%dma_start3A_66 : memref<128xi32, #tpu.memory_space<vmem>>) semaphore(%arg10 : memref<!tpu.dma_semaphore, #tpu.memory_space<semaphore_mem>>)
      %dma_start3A_70 = arith.constant 896 : i32
      %dma_start3A_71 = arith.constant 0 : i32
      %dma_start3A_72 = tpu.memref_slice %arg9[%dma_start3A_70, %dma_start3A_71] : memref<1280x64xf32, #tpu.memory_space<vmem>> -> memref<128x64xf32, #tpu.memory_space<vmem>>
      %dma_start3A_73 = arith.constant 896 : i32
      %dma_start3A_74 = tpu.memref_slice %arg8[%dma_start3A_73] : memref<1280xi32, #tpu.memory_space<vmem>> -> memref<128xi32, #tpu.memory_space<vmem>>
      %dma_start3A_75 = arith.constant 0 : i32
      %dma_start3A_76 = arith.constant 0 : i32
      %dma_start3A_77 = tpu.memref_slice %arg2[%dma_start3A_75, %dma_start3A_76] : memref<160000x64xf32, #tpu.memory_space<hbm>> -> memref<160000x64xf32, #tpu.memory_space<hbm>>
      tpu.enqueue_indirect_dma source(%dma_start3A_77 : memref<160000x64xf32, #tpu.memory_space<hbm>>) target(%dma_start3A_72 : memref<128x64xf32, #tpu.memory_space<vmem>>) offsets(%dma_start3A_74 : memref<128xi32, #tpu.memory_space<vmem>>) semaphore(%arg10 : memref<!tpu.dma_semaphore, #tpu.memory_space<semaphore_mem>>)
      %dma_start3A_78 = arith.constant 1024 : i32
      %dma_start3A_79 = arith.constant 0 : i32
      %dma_start3A_80 = tpu.memref_slice %arg9[%dma_start3A_78, %dma_start3A_79] : memref<1280x64xf32, #tpu.memory_space<vmem>> -> memref<128x64xf32, #tpu.memory_space<vmem>>
      %dma_start3A_81 = arith.constant 1024 : i32
      %dma_start3A_82 = tpu.memref_slice %arg8[%dma_start3A_81] : memref<1280xi32, #tpu.memory_space<vmem>> -> memref<128xi32, #tpu.memory_space<vmem>>
      %dma_start3A_83 = arith.constant 0 : i32
      %dma_start3A_84 = arith.constant 0 : i32
      %dma_start3A_85 = tpu.memref_slice %arg2[%dma_start3A_83, %dma_start3A_84] : memref<160000x64xf32, #tpu.memory_space<hbm>> -> memref<160000x64xf32, #tpu.memory_space<hbm>>
      tpu.enqueue_indirect_dma source(%dma_start3A_85 : memref<160000x64xf32, #tpu.memory_space<hbm>>) target(%dma_start3A_80 : memref<128x64xf32, #tpu.memory_space<vmem>>) offsets(%dma_start3A_82 : memref<128xi32, #tpu.memory_space<vmem>>) semaphore(%arg10 : memref<!tpu.dma_semaphore, #tpu.memory_space<semaphore_mem>>)
      %dma_start3A_86 = arith.constant 1152 : i32
      %dma_start3A_87 = arith.constant 0 : i32
      %dma_start3A_88 = tpu.memref_slice %arg9[%dma_start3A_86, %dma_start3A_87] : memref<1280x64xf32, #tpu.memory_space<vmem>> -> memref<128x64xf32, #tpu.memory_space<vmem>>
      %dma_start3A_89 = arith.constant 1152 : i32
      %dma_start3A_90 = tpu.memref_slice %arg8[%dma_start3A_89] : memref<1280xi32, #tpu.memory_space<vmem>> -> memref<128xi32, #tpu.memory_space<vmem>>
      %dma_start3A_91 = arith.constant 0 : i32
      %dma_start3A_92 = arith.constant 0 : i32
      %dma_start3A_93 = tpu.memref_slice %arg2[%dma_start3A_91, %dma_start3A_92] : memref<160000x64xf32, #tpu.memory_space<hbm>> -> memref<160000x64xf32, #tpu.memory_space<hbm>>
      tpu.enqueue_indirect_dma source(%dma_start3A_93 : memref<160000x64xf32, #tpu.memory_space<hbm>>) target(%dma_start3A_88 : memref<128x64xf32, #tpu.memory_space<vmem>>) offsets(%dma_start3A_90 : memref<128xi32, #tpu.memory_space<vmem>>) semaphore(%arg10 : memref<!tpu.dma_semaphore, #tpu.memory_space<semaphore_mem>>)
      %dma_wait3A = arith.constant 0 : i32
      %dma_wait3A_94 = arith.constant 0 : i32
      %dma_wait3A_95 = tpu.memref_slice %arg9[%dma_wait3A, %dma_wait3A_94] : memref<1280x64xf32, #tpu.memory_space<vmem>> -> memref<128x64xf32, #tpu.memory_space<vmem>>
      %dma_wait3A_96 = arith.constant 0 : i32
      %dma_wait3A_97 = tpu.memref_slice %arg8[%dma_wait3A_96] : memref<1280xi32, #tpu.memory_space<vmem>> -> memref<128xi32, #tpu.memory_space<vmem>>
      %dma_wait3A_98 = arith.constant 0 : i32
      %dma_wait3A_99 = arith.constant 0 : i32
      %dma_wait3A_100 = tpu.memref_slice %arg2[%dma_wait3A_98, %dma_wait3A_99] : memref<160000x64xf32, #tpu.memory_space<hbm>> -> memref<160000x64xf32, #tpu.memory_space<hbm>>
      tpu.wait_indirect_dma semaphore(%arg10 : memref<!tpu.dma_semaphore, #tpu.memory_space<semaphore_mem>>) src(%dma_wait3A_100 : memref<160000x64xf32, #tpu.memory_space<hbm>>) dst(%dma_wait3A_95 : memref<128x64xf32, #tpu.memory_space<vmem>>)
      %dma_wait3A_101 = arith.constant 128 : i32
      %dma_wait3A_102 = arith.constant 0 : i32
      %dma_wait3A_103 = tpu.memref_slice %arg9[%dma_wait3A_101, %dma_wait3A_102] : memref<1280x64xf32, #tpu.memory_space<vmem>> -> memref<128x64xf32, #tpu.memory_space<vmem>>
      %dma_wait3A_104 = arith.constant 128 : i32
      %dma_wait3A_105 = tpu.memref_slice %arg8[%dma_wait3A_104] : memref<1280xi32, #tpu.memory_space<vmem>> -> memref<128xi32, #tpu.memory_space<vmem>>
      %dma_wait3A_106 = arith.constant 0 : i32
      %dma_wait3A_107 = arith.constant 0 : i32
      %dma_wait3A_108 = tpu.memref_slice %arg2[%dma_wait3A_106, %dma_wait3A_107] : memref<160000x64xf32, #tpu.memory_space<hbm>> -> memref<160000x64xf32, #tpu.memory_space<hbm>>
      tpu.wait_indirect_dma semaphore(%arg10 : memref<!tpu.dma_semaphore, #tpu.memory_space<semaphore_mem>>) src(%dma_wait3A_108 : memref<160000x64xf32, #tpu.memory_space<hbm>>) dst(%dma_wait3A_103 : memref<128x64xf32, #tpu.memory_space<vmem>>)
      %dma_wait3A_109 = arith.constant 256 : i32
      %dma_wait3A_110 = arith.constant 0 : i32
      %dma_wait3A_111 = tpu.memref_slice %arg9[%dma_wait3A_109, %dma_wait3A_110] : memref<1280x64xf32, #tpu.memory_space<vmem>> -> memref<128x64xf32, #tpu.memory_space<vmem>>
      %dma_wait3A_112 = arith.constant 256 : i32
      %dma_wait3A_113 = tpu.memref_slice %arg8[%dma_wait3A_112] : memref<1280xi32, #tpu.memory_space<vmem>> -> memref<128xi32, #tpu.memory_space<vmem>>
      %dma_wait3A_114 = arith.constant 0 : i32
      %dma_wait3A_115 = arith.constant 0 : i32
      %dma_wait3A_116 = tpu.memref_slice %arg2[%dma_wait3A_114, %dma_wait3A_115] : memref<160000x64xf32, #tpu.memory_space<hbm>> -> memref<160000x64xf32, #tpu.memory_space<hbm>>
      tpu.wait_indirect_dma semaphore(%arg10 : memref<!tpu.dma_semaphore, #tpu.memory_space<semaphore_mem>>) src(%dma_wait3A_116 : memref<160000x64xf32, #tpu.memory_space<hbm>>) dst(%dma_wait3A_111 : memref<128x64xf32, #tpu.memory_space<vmem>>)
      %dma_wait3A_117 = arith.constant 384 : i32
      %dma_wait3A_118 = arith.constant 0 : i32
      %dma_wait3A_119 = tpu.memref_slice %arg9[%dma_wait3A_117, %dma_wait3A_118] : memref<1280x64xf32, #tpu.memory_space<vmem>> -> memref<128x64xf32, #tpu.memory_space<vmem>>
      %dma_wait3A_120 = arith.constant 384 : i32
      %dma_wait3A_121 = tpu.memref_slice %arg8[%dma_wait3A_120] : memref<1280xi32, #tpu.memory_space<vmem>> -> memref<128xi32, #tpu.memory_space<vmem>>
      %dma_wait3A_122 = arith.constant 0 : i32
      %dma_wait3A_123 = arith.constant 0 : i32
      %dma_wait3A_124 = tpu.memref_slice %arg2[%dma_wait3A_122, %dma_wait3A_123] : memref<160000x64xf32, #tpu.memory_space<hbm>> -> memref<160000x64xf32, #tpu.memory_space<hbm>>
      tpu.wait_indirect_dma semaphore(%arg10 : memref<!tpu.dma_semaphore, #tpu.memory_space<semaphore_mem>>) src(%dma_wait3A_124 : memref<160000x64xf32, #tpu.memory_space<hbm>>) dst(%dma_wait3A_119 : memref<128x64xf32, #tpu.memory_space<vmem>>)
      %dma_wait3A_125 = arith.constant 512 : i32
      %dma_wait3A_126 = arith.constant 0 : i32
      %dma_wait3A_127 = tpu.memref_slice %arg9[%dma_wait3A_125, %dma_wait3A_126] : memref<1280x64xf32, #tpu.memory_space<vmem>> -> memref<128x64xf32, #tpu.memory_space<vmem>>
      %dma_wait3A_128 = arith.constant 512 : i32
      %dma_wait3A_129 = tpu.memref_slice %arg8[%dma_wait3A_128] : memref<1280xi32, #tpu.memory_space<vmem>> -> memref<128xi32, #tpu.memory_space<vmem>>
      %dma_wait3A_130 = arith.constant 0 : i32
      %dma_wait3A_131 = arith.constant 0 : i32
      %dma_wait3A_132 = tpu.memref_slice %arg2[%dma_wait3A_130, %dma_wait3A_131] : memref<160000x64xf32, #tpu.memory_space<hbm>> -> memref<160000x64xf32, #tpu.memory_space<hbm>>
      tpu.wait_indirect_dma semaphore(%arg10 : memref<!tpu.dma_semaphore, #tpu.memory_space<semaphore_mem>>) src(%dma_wait3A_132 : memref<160000x64xf32, #tpu.memory_space<hbm>>) dst(%dma_wait3A_127 : memref<128x64xf32, #tpu.memory_space<vmem>>)
      %dma_wait3A_133 = arith.constant 640 : i32
      %dma_wait3A_134 = arith.constant 0 : i32
      %dma_wait3A_135 = tpu.memref_slice %arg9[%dma_wait3A_133, %dma_wait3A_134] : memref<1280x64xf32, #tpu.memory_space<vmem>> -> memref<128x64xf32, #tpu.memory_space<vmem>>
      %dma_wait3A_136 = arith.constant 640 : i32
      %dma_wait3A_137 = tpu.memref_slice %arg8[%dma_wait3A_136] : memref<1280xi32, #tpu.memory_space<vmem>> -> memref<128xi32, #tpu.memory_space<vmem>>
      %dma_wait3A_138 = arith.constant 0 : i32
      %dma_wait3A_139 = arith.constant 0 : i32
      %dma_wait3A_140 = tpu.memref_slice %arg2[%dma_wait3A_138, %dma_wait3A_139] : memref<160000x64xf32, #tpu.memory_space<hbm>> -> memref<160000x64xf32, #tpu.memory_space<hbm>>
      tpu.wait_indirect_dma semaphore(%arg10 : memref<!tpu.dma_semaphore, #tpu.memory_space<semaphore_mem>>) src(%dma_wait3A_140 : memref<160000x64xf32, #tpu.memory_space<hbm>>) dst(%dma_wait3A_135 : memref<128x64xf32, #tpu.memory_space<vmem>>)
      %dma_wait3A_141 = arith.constant 768 : i32
      %dma_wait3A_142 = arith.constant 0 : i32
      %dma_wait3A_143 = tpu.memref_slice %arg9[%dma_wait3A_141, %dma_wait3A_142] : memref<1280x64xf32, #tpu.memory_space<vmem>> -> memref<128x64xf32, #tpu.memory_space<vmem>>
      %dma_wait3A_144 = arith.constant 768 : i32
      %dma_wait3A_145 = tpu.memref_slice %arg8[%dma_wait3A_144] : memref<1280xi32, #tpu.memory_space<vmem>> -> memref<128xi32, #tpu.memory_space<vmem>>
      %dma_wait3A_146 = arith.constant 0 : i32
      %dma_wait3A_147 = arith.constant 0 : i32
      %dma_wait3A_148 = tpu.memref_slice %arg2[%dma_wait3A_146, %dma_wait3A_147] : memref<160000x64xf32, #tpu.memory_space<hbm>> -> memref<160000x64xf32, #tpu.memory_space<hbm>>
      tpu.wait_indirect_dma semaphore(%arg10 : memref<!tpu.dma_semaphore, #tpu.memory_space<semaphore_mem>>) src(%dma_wait3A_148 : memref<160000x64xf32, #tpu.memory_space<hbm>>) dst(%dma_wait3A_143 : memref<128x64xf32, #tpu.memory_space<vmem>>)
      %dma_wait3A_149 = arith.constant 896 : i32
      %dma_wait3A_150 = arith.constant 0 : i32
      %dma_wait3A_151 = tpu.memref_slice %arg9[%dma_wait3A_149, %dma_wait3A_150] : memref<1280x64xf32, #tpu.memory_space<vmem>> -> memref<128x64xf32, #tpu.memory_space<vmem>>
      %dma_wait3A_152 = arith.constant 896 : i32
      %dma_wait3A_153 = tpu.memref_slice %arg8[%dma_wait3A_152] : memref<1280xi32, #tpu.memory_space<vmem>> -> memref<128xi32, #tpu.memory_space<vmem>>
      %dma_wait3A_154 = arith.constant 0 : i32
      %dma_wait3A_155 = arith.constant 0 : i32
      %dma_wait3A_156 = tpu.memref_slice %arg2[%dma_wait3A_154, %dma_wait3A_155] : memref<160000x64xf32, #tpu.memory_space<hbm>> -> memref<160000x64xf32, #tpu.memory_space<hbm>>
      tpu.wait_indirect_dma semaphore(%arg10 : memref<!tpu.dma_semaphore, #tpu.memory_space<semaphore_mem>>) src(%dma_wait3A_156 : memref<160000x64xf32, #tpu.memory_space<hbm>>) dst(%dma_wait3A_151 : memref<128x64xf32, #tpu.memory_space<vmem>>)
      %dma_wait3A_157 = arith.constant 1024 : i32
      %dma_wait3A_158 = arith.constant 0 : i32
      %dma_wait3A_159 = tpu.memref_slice %arg9[%dma_wait3A_157, %dma_wait3A_158] : memref<1280x64xf32, #tpu.memory_space<vmem>> -> memref<128x64xf32, #tpu.memory_space<vmem>>
      %dma_wait3A_160 = arith.constant 1024 : i32
      %dma_wait3A_161 = tpu.memref_slice %arg8[%dma_wait3A_160] : memref<1280xi32, #tpu.memory_space<vmem>> -> memref<128xi32, #tpu.memory_space<vmem>>
      %dma_wait3A_162 = arith.constant 0 : i32
      %dma_wait3A_163 = arith.constant 0 : i32
      %dma_wait3A_164 = tpu.memref_slice %arg2[%dma_wait3A_162, %dma_wait3A_163] : memref<160000x64xf32, #tpu.memory_space<hbm>> -> memref<160000x64xf32, #tpu.memory_space<hbm>>
      tpu.wait_indirect_dma semaphore(%arg10 : memref<!tpu.dma_semaphore, #tpu.memory_space<semaphore_mem>>) src(%dma_wait3A_164 : memref<160000x64xf32, #tpu.memory_space<hbm>>) dst(%dma_wait3A_159 : memref<128x64xf32, #tpu.memory_space<vmem>>)
      %dma_wait3A_165 = arith.constant 1152 : i32
      %dma_wait3A_166 = arith.constant 0 : i32
      %dma_wait3A_167 = tpu.memref_slice %arg9[%dma_wait3A_165, %dma_wait3A_166] : memref<1280x64xf32, #tpu.memory_space<vmem>> -> memref<128x64xf32, #tpu.memory_space<vmem>>
      %dma_wait3A_168 = arith.constant 1152 : i32
      %dma_wait3A_169 = tpu.memref_slice %arg8[%dma_wait3A_168] : memref<1280xi32, #tpu.memory_space<vmem>> -> memref<128xi32, #tpu.memory_space<vmem>>
      %dma_wait3A_170 = arith.constant 0 : i32
      %dma_wait3A_171 = arith.constant 0 : i32
      %dma_wait3A_172 = tpu.memref_slice %arg2[%dma_wait3A_170, %dma_wait3A_171] : memref<160000x64xf32, #tpu.memory_space<hbm>> -> memref<160000x64xf32, #tpu.memory_space<hbm>>
      tpu.wait_indirect_dma semaphore(%arg10 : memref<!tpu.dma_semaphore, #tpu.memory_space<semaphore_mem>>) src(%dma_wait3A_172 : memref<160000x64xf32, #tpu.memory_space<hbm>>) dst(%dma_wait3A_167 : memref<128x64xf32, #tpu.memory_space<vmem>>)
      "tpu.region"() ({
        %run_scoped3A = tpu.sem_alloc : memref<!tpu.dma_semaphore, #tpu.memory_space<semaphore_mem>>
        %dma_start3A_173 = arith.constant 0 : i32
        %dma_start3A_174 = arith.constant 0 : i32
        %dma_start3A_175 = tpu.memref_slice %arg9[%dma_start3A_173, %dma_start3A_174] : memref<1280x64xf32, #tpu.memory_space<vmem>> -> memref<1280x64xf32, #tpu.memory_space<vmem>>
        %dma_start3A_176 = arith.constant 0 : i32
        %dma_start3A_177 = tpu.memref_slice %arg5[%mul3A_2, %dma_start3A_176] : memref<40000x64xf32, #tpu.memory_space<hbm>> -> memref<1280x64xf32, #tpu.memory_space<hbm>>
        %dma_start3A_178 = arith.constant 0 : i32
        %dma_start3A_179 = tpu.memref_slice %arg5[%mul3A_2, %dma_start3A_178] : memref<40000x64xf32, #tpu.memory_space<hbm>> -> memref<1280x64xf32, #tpu.memory_space<hbm>>
        %dma_start3A_180 = arith.constant 0 : i32
        %dma_start3A_181 = arith.constant 0 : i32
        %dma_start3A_182 = tpu.memref_slice %arg9[%dma_start3A_180, %dma_start3A_181] : memref<1280x64xf32, #tpu.memory_space<vmem>> -> memref<1280x64xf32, #tpu.memory_space<vmem>>
        tpu.enqueue_dma source(%dma_start3A_182 : memref<1280x64xf32, #tpu.memory_space<vmem>>) target(%dma_start3A_179 : memref<1280x64xf32, #tpu.memory_space<hbm>>) target_semaphore(%run_scoped3A : memref<!tpu.dma_semaphore, #tpu.memory_space<semaphore_mem>>)
        %dma_wait3A_183 = arith.constant 0 : i32
        %dma_wait3A_184 = arith.constant 0 : i32
        %dma_wait3A_185 = tpu.memref_slice %arg9[%dma_wait3A_183, %dma_wait3A_184] : memref<1280x64xf32, #tpu.memory_space<vmem>> -> memref<1280x64xf32, #tpu.memory_space<vmem>>
        %dma_wait3A_186 = arith.constant 0 : i32
        %dma_wait3A_187 = tpu.memref_slice %arg5[%mul3A_2, %dma_wait3A_186] : memref<40000x64xf32, #tpu.memory_space<hbm>> -> memref<1280x64xf32, #tpu.memory_space<hbm>>
        %dma_wait3A_188 = arith.constant 0 : i32
        %dma_wait3A_189 = tpu.memref_slice %arg5[%mul3A_2, %dma_wait3A_188] : memref<40000x64xf32, #tpu.memory_space<hbm>> -> memref<1280x64xf32, #tpu.memory_space<hbm>>
        %dma_wait3A_190 = arith.constant 0 : i32
        %dma_wait3A_191 = arith.constant 0 : i32
        %dma_wait3A_192 = tpu.memref_slice %arg9[%dma_wait3A_190, %dma_wait3A_191] : memref<1280x64xf32, #tpu.memory_space<vmem>> -> memref<1280x64xf32, #tpu.memory_space<vmem>>
        tpu.wait_dma2 semaphore(%run_scoped3A : memref<!tpu.dma_semaphore, #tpu.memory_space<semaphore_mem>>) src(%dma_wait3A_192 : memref<1280x64xf32, #tpu.memory_space<vmem>>) dst(%dma_wait3A_189 : memref<1280x64xf32, #tpu.memory_space<hbm>>)
        tpu.yield
      }) : () -> ()
    } else {
    }
    %eq3A = arith.constant 31 : i32
    %eq3A_5 = arith.cmpi eq, %add3A, %eq3A : i32
    %convert_element_type3A_6 = arith.extui %eq3A_5 : i1 to i32
    %cond3A_7 = arith.constant 0 : i32
    %cond3A_8 = arith.cmpi ne, %convert_element_type3A_6, %cond3A_7 : i32
    scf.if %cond3A_8 {
      "tpu.region"() ({
        %run_scoped3A = tpu.sem_alloc : memref<!tpu.dma_semaphore, #tpu.memory_space<semaphore_mem>>
        %dma_start3A_61 = arith.constant 0 : i32
        %dma_start3A_62 = tpu.memref_slice %arg6[%dma_start3A_61] : memref<1280xi32, #tpu.memory_space<vmem>> -> memref<320xi32, #tpu.memory_space<vmem>>
        %dma_start3A_63 = tpu.memref_slice %arg3[%mul3A_2] : memref<40000xi32, #tpu.memory_space<hbm>> -> memref<320xi32, #tpu.memory_space<hbm>>
        %dma_start3A_64 = arith.constant 0 : i32
        %dma_start3A_65 = tpu.memref_slice %arg6[%dma_start3A_64] : memref<1280xi32, #tpu.memory_space<vmem>> -> memref<320xi32, #tpu.memory_space<vmem>>
        %dma_start3A_66 = tpu.memref_slice %arg3[%mul3A_2] : memref<40000xi32, #tpu.memory_space<hbm>> -> memref<320xi32, #tpu.memory_space<hbm>>
        tpu.enqueue_dma source(%dma_start3A_66 : memref<320xi32, #tpu.memory_space<hbm>>) target(%dma_start3A_65 : memref<320xi32, #tpu.memory_space<vmem>>) target_semaphore(%run_scoped3A : memref<!tpu.dma_semaphore, #tpu.memory_space<semaphore_mem>>)
        %dma_wait3A_67 = arith.constant 0 : i32
        %dma_wait3A_68 = tpu.memref_slice %arg6[%dma_wait3A_67] : memref<1280xi32, #tpu.memory_space<vmem>> -> memref<320xi32, #tpu.memory_space<vmem>>
        %dma_wait3A_69 = tpu.memref_slice %arg3[%mul3A_2] : memref<40000xi32, #tpu.memory_space<hbm>> -> memref<320xi32, #tpu.memory_space<hbm>>
        %dma_wait3A_70 = arith.constant 0 : i32
        %dma_wait3A_71 = tpu.memref_slice %arg6[%dma_wait3A_70] : memref<1280xi32, #tpu.memory_space<vmem>> -> memref<320xi32, #tpu.memory_space<vmem>>
        %dma_wait3A_72 = tpu.memref_slice %arg3[%mul3A_2] : memref<40000xi32, #tpu.memory_space<hbm>> -> memref<320xi32, #tpu.memory_space<hbm>>
        tpu.wait_dma2 semaphore(%run_scoped3A : memref<!tpu.dma_semaphore, #tpu.memory_space<semaphore_mem>>) src(%dma_wait3A_72 : memref<320xi32, #tpu.memory_space<hbm>>) dst(%dma_wait3A_71 : memref<320xi32, #tpu.memory_space<vmem>>)
        tpu.yield
      }) : () -> ()
      "tpu.region"() ({
        %run_scoped3A = tpu.sem_alloc : memref<!tpu.dma_semaphore, #tpu.memory_space<semaphore_mem>>
        %dma_start3A_61 = arith.constant 0 : i32
        %dma_start3A_62 = tpu.memref_slice %arg7[%dma_start3A_61] : memref<1280xi32, #tpu.memory_space<vmem>> -> memref<320xi32, #tpu.memory_space<vmem>>
        %dma_start3A_63 = tpu.memref_slice %arg4[%mul3A_2] : memref<40000xi32, #tpu.memory_space<hbm>> -> memref<320xi32, #tpu.memory_space<hbm>>
        %dma_start3A_64 = arith.constant 0 : i32
        %dma_start3A_65 = tpu.memref_slice %arg7[%dma_start3A_64] : memref<1280xi32, #tpu.memory_space<vmem>> -> memref<320xi32, #tpu.memory_space<vmem>>
        %dma_start3A_66 = tpu.memref_slice %arg4[%mul3A_2] : memref<40000xi32, #tpu.memory_space<hbm>> -> memref<320xi32, #tpu.memory_space<hbm>>
        tpu.enqueue_dma source(%dma_start3A_66 : memref<320xi32, #tpu.memory_space<hbm>>) target(%dma_start3A_65 : memref<320xi32, #tpu.memory_space<vmem>>) target_semaphore(%run_scoped3A : memref<!tpu.dma_semaphore, #tpu.memory_space<semaphore_mem>>)
        %dma_wait3A_67 = arith.constant 0 : i32
        %dma_wait3A_68 = tpu.memref_slice %arg7[%dma_wait3A_67] : memref<1280xi32, #tpu.memory_space<vmem>> -> memref<320xi32, #tpu.memory_space<vmem>>
        %dma_wait3A_69 = tpu.memref_slice %arg4[%mul3A_2] : memref<40000xi32, #tpu.memory_space<hbm>> -> memref<320xi32, #tpu.memory_space<hbm>>
        %dma_wait3A_70 = arith.constant 0 : i32
        %dma_wait3A_71 = tpu.memref_slice %arg7[%dma_wait3A_70] : memref<1280xi32, #tpu.memory_space<vmem>> -> memref<320xi32, #tpu.memory_space<vmem>>
        %dma_wait3A_72 = tpu.memref_slice %arg4[%mul3A_2] : memref<40000xi32, #tpu.memory_space<hbm>> -> memref<320xi32, #tpu.memory_space<hbm>>
        tpu.wait_dma2 semaphore(%run_scoped3A : memref<!tpu.dma_semaphore, #tpu.memory_space<semaphore_mem>>) src(%dma_wait3A_72 : memref<320xi32, #tpu.memory_space<hbm>>) dst(%dma_wait3A_71 : memref<320xi32, #tpu.memory_space<vmem>>)
        tpu.yield
      }) : () -> ()
      %scan3A = arith.constant 0 : i32
      %scan3A_9 = arith.constant 0 : i32
      %scan3A_10 = arith.constant 20 : i32
      %scan3A_11 = arith.addi %scan3A_9, %scan3A_10 : i32
      %scan3A_12 = arith.constant 1 : i32
      %scan3A_13 = scf.for %scan3A_61 = %scan3A_9 to %scan3A_11 step %scan3A_12 iter_args(%scan3A_62 = %scan3A) -> (i32)  : i32 {
        %mul3A_63 = arith.constant 16 : i32
        %mul3A_64 = arith.muli %scan3A_61, %mul3A_63 : i32
        %get3A = arith.index_cast %mul3A_64 : i32 to index
        %get3A_65 = tpu.vector_load %arg6[%get3A] {strides = array<i32>} : memref<1280xi32, #tpu.memory_space<vmem>>, vector<16xi32>,
        %get3A_66 = vector.shape_cast %get3A_65 : vector<16xi32> to vector<16xi32>
        %mul3A_67 = arith.constant 16 : i32
        %mul3A_68 = vector.broadcast %mul3A_67 : i32 to vector<16xi32>
        %mul3A_69 = arith.muli %get3A_66, %mul3A_68 : vector<16xi32>
        %get3A_70 = arith.index_cast %mul3A_64 : i32 to index
        %get3A_71 = tpu.vector_load %arg7[%get3A_70] {strides = array<i32>} : memref<1280xi32, #tpu.memory_space<vmem>>, vector<16xi32>,
        %get3A_72 = vector.shape_cast %get3A_71 : vector<16xi32> to vector<16xi32>
        %add3A_73 = arith.addi %mul3A_69, %get3A_72 : vector<16xi32>
        %swap3A = arith.index_cast %mul3A_64 : i32 to index
        %swap3A_74 = tpu.vector_load %arg8[%swap3A] {strides = array<i32>} : memref<1280xi32, #tpu.memory_space<vmem>>, vector<16xi32>,
        %swap3A_75 = vector.shape_cast %swap3A_74 : vector<16xi32> to vector<16xi32>
        %swap3A_76 = vector.shape_cast %add3A_73 : vector<16xi32> to vector<16xi32>
        tpu.vector_store %arg8[%swap3A], %swap3A_76 {strides = array<i32>} : memref<1280xi32, #tpu.memory_space<vmem>>, vector<16xi32>,
        %scan3A_77 = arith.constant 0 : i32
        scf.yield %scan3A_77 : i32
      }
      %scan3A_14 = arith.constant 20 : i32
      %dma_start3A = arith.constant 0 : i32
      %dma_start3A_15 = arith.constant 0 : i32
      %dma_start3A_16 = tpu.memref_slice %arg9[%dma_start3A, %dma_start3A_15] : memref<1280x64xf32, #tpu.memory_space<vmem>> -> memref<128x64xf32, #tpu.memory_space<vmem>>
      %dma_start3A_17 = arith.constant 0 : i32
      %dma_start3A_18 = tpu.memref_slice %arg8[%dma_start3A_17] : memref<1280xi32, #tpu.memory_space<vmem>> -> memref<128xi32, #tpu.memory_space<vmem>>
      %dma_start3A_19 = arith.constant 0 : i32
      %dma_start3A_20 = arith.constant 0 : i32
      %dma_start3A_21 = tpu.memref_slice %arg2[%dma_start3A_19, %dma_start3A_20] : memref<160000x64xf32, #tpu.memory_space<hbm>> -> memref<160000x64xf32, #tpu.memory_space<hbm>>
      tpu.enqueue_indirect_dma source(%dma_start3A_21 : memref<160000x64xf32, #tpu.memory_space<hbm>>) target(%dma_start3A_16 : memref<128x64xf32, #tpu.memory_space<vmem>>) offsets(%dma_start3A_18 : memref<128xi32, #tpu.memory_space<vmem>>) semaphore(%arg10 : memref<!tpu.dma_semaphore, #tpu.memory_space<semaphore_mem>>)
      %dma_start3A_22 = arith.constant 128 : i32
      %dma_start3A_23 = arith.constant 0 : i32
      %dma_start3A_24 = tpu.memref_slice %arg9[%dma_start3A_22, %dma_start3A_23] : memref<1280x64xf32, #tpu.memory_space<vmem>> -> memref<128x64xf32, #tpu.memory_space<vmem>>
      %dma_start3A_25 = arith.constant 128 : i32
      %dma_start3A_26 = tpu.memref_slice %arg8[%dma_start3A_25] : memref<1280xi32, #tpu.memory_space<vmem>> -> memref<128xi32, #tpu.memory_space<vmem>>
      %dma_start3A_27 = arith.constant 0 : i32
      %dma_start3A_28 = arith.constant 0 : i32
      %dma_start3A_29 = tpu.memref_slice %arg2[%dma_start3A_27, %dma_start3A_28] : memref<160000x64xf32, #tpu.memory_space<hbm>> -> memref<160000x64xf32, #tpu.memory_space<hbm>>
      tpu.enqueue_indirect_dma source(%dma_start3A_29 : memref<160000x64xf32, #tpu.memory_space<hbm>>) target(%dma_start3A_24 : memref<128x64xf32, #tpu.memory_space<vmem>>) offsets(%dma_start3A_26 : memref<128xi32, #tpu.memory_space<vmem>>) semaphore(%arg10 : memref<!tpu.dma_semaphore, #tpu.memory_space<semaphore_mem>>)
      %dma_start3A_30 = arith.constant 256 : i32
      %dma_start3A_31 = arith.constant 0 : i32
      %dma_start3A_32 = tpu.memref_slice %arg9[%dma_start3A_30, %dma_start3A_31] : memref<1280x64xf32, #tpu.memory_space<vmem>> -> memref<64x64xf32, #tpu.memory_space<vmem>>
      %dma_start3A_33 = arith.constant 256 : i32
      %dma_start3A_34 = tpu.memref_slice %arg8[%dma_start3A_33] : memref<1280xi32, #tpu.memory_space<vmem>> -> memref<64xi32, #tpu.memory_space<vmem>>
      %dma_start3A_35 = arith.constant 0 : i32
      %dma_start3A_36 = arith.constant 0 : i32
      %dma_start3A_37 = tpu.memref_slice %arg2[%dma_start3A_35, %dma_start3A_36] : memref<160000x64xf32, #tpu.memory_space<hbm>> -> memref<160000x64xf32, #tpu.memory_space<hbm>>
      tpu.enqueue_indirect_dma source(%dma_start3A_37 : memref<160000x64xf32, #tpu.memory_space<hbm>>) target(%dma_start3A_32 : memref<64x64xf32, #tpu.memory_space<vmem>>) offsets(%dma_start3A_34 : memref<64xi32, #tpu.memory_space<vmem>>) semaphore(%arg10 : memref<!tpu.dma_semaphore, #tpu.memory_space<semaphore_mem>>)
      %dma_wait3A = arith.constant 0 : i32
      %dma_wait3A_38 = arith.constant 0 : i32
      %dma_wait3A_39 = tpu.memref_slice %arg9[%dma_wait3A, %dma_wait3A_38] : memref<1280x64xf32, #tpu.memory_space<vmem>> -> memref<128x64xf32, #tpu.memory_space<vmem>>
      %dma_wait3A_40 = arith.constant 0 : i32
      %dma_wait3A_41 = tpu.memref_slice %arg8[%dma_wait3A_40] : memref<1280xi32, #tpu.memory_space<vmem>> -> memref<128xi32, #tpu.memory_space<vmem>>
      %dma_wait3A_42 = arith.constant 0 : i32
      %dma_wait3A_43 = arith.constant 0 : i32
      %dma_wait3A_44 = tpu.memref_slice %arg2[%dma_wait3A_42, %dma_wait3A_43] : memref<160000x64xf32, #tpu.memory_space<hbm>> -> memref<160000x64xf32, #tpu.memory_space<hbm>>
      tpu.wait_indirect_dma semaphore(%arg10 : memref<!tpu.dma_semaphore, #tpu.memory_space<semaphore_mem>>) src(%dma_wait3A_44 : memref<160000x64xf32, #tpu.memory_space<hbm>>) dst(%dma_wait3A_39 : memref<128x64xf32, #tpu.memory_space<vmem>>)
      %dma_wait3A_45 = arith.constant 128 : i32
      %dma_wait3A_46 = arith.constant 0 : i32
      %dma_wait3A_47 = tpu.memref_slice %arg9[%dma_wait3A_45, %dma_wait3A_46] : memref<1280x64xf32, #tpu.memory_space<vmem>> -> memref<128x64xf32, #tpu.memory_space<vmem>>
      %dma_wait3A_48 = arith.constant 128 : i32
      %dma_wait3A_49 = tpu.memref_slice %arg8[%dma_wait3A_48] : memref<1280xi32, #tpu.memory_space<vmem>> -> memref<128xi32, #tpu.memory_space<vmem>>
      %dma_wait3A_50 = arith.constant 0 : i32
      %dma_wait3A_51 = arith.constant 0 : i32
      %dma_wait3A_52 = tpu.memref_slice %arg2[%dma_wait3A_50, %dma_wait3A_51] : memref<160000x64xf32, #tpu.memory_space<hbm>> -> memref<160000x64xf32, #tpu.memory_space<hbm>>
      tpu.wait_indirect_dma semaphore(%arg10 : memref<!tpu.dma_semaphore, #tpu.memory_space<semaphore_mem>>) src(%dma_wait3A_52 : memref<160000x64xf32, #tpu.memory_space<hbm>>) dst(%dma_wait3A_47 : memref<128x64xf32, #tpu.memory_space<vmem>>)
      %dma_wait3A_53 = arith.constant 256 : i32
      %dma_wait3A_54 = arith.constant 0 : i32
      %dma_wait3A_55 = tpu.memref_slice %arg9[%dma_wait3A_53, %dma_wait3A_54] : memref<1280x64xf32, #tpu.memory_space<vmem>> -> memref<64x64xf32, #tpu.memory_space<vmem>>
      %dma_wait3A_56 = arith.constant 256 : i32
      %dma_wait3A_57 = tpu.memref_slice %arg8[%dma_wait3A_56] : memref<1280xi32, #tpu.memory_space<vmem>> -> memref<64xi32, #tpu.memory_space<vmem>>
      %dma_wait3A_58 = arith.constant 0 : i32
      %dma_wait3A_59 = arith.constant 0 : i32
      %dma_wait3A_60 = tpu.memref_slice %arg2[%dma_wait3A_58, %dma_wait3A_59] : memref<160000x64xf32, #tpu.memory_space<hbm>> -> memref<160000x64xf32, #tpu.memory_space<hbm>>
      tpu.wait_indirect_dma semaphore(%arg10 : memref<!tpu.dma_semaphore, #tpu.memory_space<semaphore_mem>>) src(%dma_wait3A_60 : memref<160000x64xf32, #tpu.memory_space<hbm>>) dst(%dma_wait3A_55 : memref<64x64xf32, #tpu.memory_space<vmem>>)
      "tpu.region"() ({
        %run_scoped3A = tpu.sem_alloc : memref<!tpu.dma_semaphore, #tpu.memory_space<semaphore_mem>>
        %dma_start3A_61 = arith.constant 0 : i32
        %dma_start3A_62 = arith.constant 0 : i32
        %dma_start3A_63 = tpu.memref_slice %arg9[%dma_start3A_61, %dma_start3A_62] : memref<1280x64xf32, #tpu.memory_space<vmem>> -> memref<320x64xf32, #tpu.memory_space<vmem>>
        %dma_start3A_64 = arith.constant 0 : i32
        %dma_start3A_65 = tpu.memref_slice %arg5[%mul3A_2, %dma_start3A_64] : memref<40000x64xf32, #tpu.memory_space<hbm>> -> memref<320x64xf32, #tpu.memory_space<hbm>>
        %dma_start3A_66 = arith.constant 0 : i32
        %dma_start3A_67 = tpu.memref_slice %arg5[%mul3A_2, %dma_start3A_66] : memref<40000x64xf32, #tpu.memory_space<hbm>> -> memref<320x64xf32, #tpu.memory_space<hbm>>
        %dma_start3A_68 = arith.constant 0 : i32
        %dma_start3A_69 = arith.constant 0 : i32
        %dma_start3A_70 = tpu.memref_slice %arg9[%dma_start3A_68, %dma_start3A_69] : memref<1280x64xf32, #tpu.memory_space<vmem>> -> memref<320x64xf32, #tpu.memory_space<vmem>>
        tpu.enqueue_dma source(%dma_start3A_70 : memref<320x64xf32, #tpu.memory_space<vmem>>) target(%dma_start3A_67 : memref<320x64xf32, #tpu.memory_space<hbm>>) target_semaphore(%run_scoped3A : memref<!tpu.dma_semaphore, #tpu.memory_space<semaphore_mem>>)
        %dma_wait3A_71 = arith.constant 0 : i32
        %dma_wait3A_72 = arith.constant 0 : i32
        %dma_wait3A_73 = tpu.memref_slice %arg9[%dma_wait3A_71, %dma_wait3A_72] : memref<1280x64xf32, #tpu.memory_space<vmem>> -> memref<320x64xf32, #tpu.memory_space<vmem>>
        %dma_wait3A_74 = arith.constant 0 : i32
        %dma_wait3A_75 = tpu.memref_slice %arg5[%mul3A_2, %dma_wait3A_74] : memref<40000x64xf32, #tpu.memory_space<hbm>> -> memref<320x64xf32, #tpu.memory_space<hbm>>
        %dma_wait3A_76 = arith.constant 0 : i32
        %dma_wait3A_77 = tpu.memref_slice %arg5[%mul3A_2, %dma_wait3A_76] : memref<40000x64xf32, #tpu.memory_space<hbm>> -> memref<320x64xf32, #tpu.memory_space<hbm>>
        %dma_wait3A_78 = arith.constant 0 : i32
        %dma_wait3A_79 = arith.constant 0 : i32
        %dma_wait3A_80 = tpu.memref_slice %arg9[%dma_wait3A_78, %dma_wait3A_79] : memref<1280x64xf32, #tpu.memory_space<vmem>> -> memref<320x64xf32, #tpu.memory_space<vmem>>
        tpu.wait_dma2 semaphore(%run_scoped3A : memref<!tpu.dma_semaphore, #tpu.memory_space<semaphore_mem>>) src(%dma_wait3A_80 : memref<320x64xf32, #tpu.memory_space<vmem>>) dst(%dma_wait3A_77 : memref<320x64xf32, #tpu.memory_space<hbm>>)
        tpu.yield
      }) : () -> ()
    } else {
    }
    return
  }
}

module attributes {stable_mosaic.version = 14 : i64} {
  func.func @_mm_body(%arg0: i32, %arg1: memref<2000x64xf32, #tpu.memory_space<vmem>>, %arg2: memref<64x1024xf32, #tpu.memory_space<vmem>>, %arg3: memref<2000x1024xf32, #tpu.memory_space<vmem>>) attributes {dimension_semantics = [#tpu.dimension_semantics<arbitrary>], iteration_bounds = array<i64: 5>, scalar_prefetch = 0 : i64, scratch_operands = 0 : i64, tpu.core_type = #tpu.core_type<tc>, window_params = [{transform_indices = @transform_0, window_bounds = array<i64: 2000, 64>}, {pipeline_mode = #tpu.pipeline_mode<synchronous>, transform_indices = @transform_1, window_bounds = array<i64: 64, 1024>}, {transform_indices = @transform_2, window_bounds = array<i64: 2000, 1024>}]} {
    %get3A = arith.constant 0 : index
    %get3A_0 = arith.constant 0 : index
    %get3A_1 = vector.load %arg1[%get3A, %get3A_0] : memref<2000x64xf32, #tpu.memory_space<vmem>>, vector<2000x64xf32>
    %get3A_2 = arith.constant 0 : index
    %get3A_3 = arith.constant 0 : index
    %get3A_4 = vector.load %arg2[%get3A_2, %get3A_3] : memref<64x1024xf32, #tpu.memory_space<vmem>>, vector<64x1024xf32>
    %dot_general3A = arith.constant dense<0.000000e+00> : vector<2000x1024xf32>
    %dot_general3A_5 = tpu.matmul %get3A_1, %get3A_4, %dot_general3A {dimension_numbers = #tpu.dot_dimension_numbers<[1], [0], [0], [1], [0, 0, 1, 1], [], []>, transpose_lhs_hint = false} : vector<2000x64xf32>, vector<64x1024xf32>, vector<2000x1024xf32> -> vector<2000x1024xf32>
    %swap3A = arith.constant 0 : index
    %swap3A_6 = arith.constant 0 : index
    %swap3A_7 = vector.load %arg3[%swap3A, %swap3A_6] : memref<2000x1024xf32, #tpu.memory_space<vmem>>, vector<2000x1024xf32>
    tpu.vector_store %arg3[%swap3A, %swap3A_6], %dot_general3A_5 {strides = array<i32>} : memref<2000x1024xf32, #tpu.memory_space<vmem>>, vector<2000x1024xf32>,
    return
  }
  func.func @transform_0(%arg0: i32) -> (i32, i32) {
    %c0_i32 = arith.constant 0 : i32
    %c0_i32_0 = arith.constant 0 : i32
    return %arg0, %c0_i32 : i32, i32
  }
  func.func @transform_1(%arg0: i32) -> (i32, i32) {
    %c0_i32 = arith.constant 0 : i32
    %c0_i32_0 = arith.constant 0 : i32
    %c0_i32_1 = arith.constant 0 : i32
    return %c0_i32, %c0_i32_0 : i32, i32
  }
  func.func @transform_2(%arg0: i32) -> (i32, i32) {
    %c0_i32 = arith.constant 0 : i32
    %c0_i32_0 = arith.constant 0 : i32
    return %arg0, %c0_i32 : i32, i32
  }
}

</mosaic_0001>

<sc_bundles>
// kernel: kernel.4.cloned.1.call-start
scs
__scs_entry_jumppad:
0x0: {  	(pc) =	sbr.rel $0x88, $3  }
0x1: {  	(tag) =	ssettag $0x0;
	lr =	simm.s32 $0x1  }
0x2: {  	[smem:$0x3F9D] =	sst lr;
	_ =	strace $0xD0000000  }
0x3: {  	_ = 	snop  }
0x4: {  	_ = 	snop  }
0x5: {  	_ = 	snop  }
0x6: {  	_ = 	snop  }
0x7: {  	_ = 	snop  }
__scs_overlays_trampoline_lowered:
0x8: {  	[smem:$0x3FAC] =	sst s0  }
0x9: {  	[smem:$0x3FAD] =	sst s1  }
0xa: {  	[smem:$0x3FAE] =	sst s2  }
0xb: {  	[smem:$0x3FAF] =	sst s3  }
0xc: {  	[smem:$0x3FB0] =	sst s4  }
0xd: {  	[smem:$0x3FB1] =	sst s5  }
0xe: {  	[smem:$0x3FB2] =	sst s6  }
0xf: {  	[smem:$0x3FB3] =	sst s7  }
0x10: {  	[smem:$0x3FB4] =	sst s8  }
0x11: {  	[smem:$0x3FB5] =	sst s9;
	s0 =	simm.s32 @!p0 $0x0  }
0x12: {  	s1 =	sld [smem:$0x3F9B];
	s0 =	simm.s32 @p0 $0x1  }
0x13: {  	[smem:$0x3FB6] =	sst s0;
	s0 =	simm.s32 @!p1 $0x0  }
0x14: {  	s2 =	sld [smem:$0x3F9A];
	s0 =	simm.s32 @p1 $0x1  }
0x15: {  	[smem:$0x3FB7] =	sst s0;
	s0 =	simm.s32 @!p2 $0x0  }
0x16: {  	s3 =	sld [smem:$0x3FDB];
	s0 =	simm.s32 @p2 $0x1  }
0x17: {  	s4 =	simm.s32 $0x1BF5;
	[smem:$0x3FB9] =	sst s0  }
0x18: {  	s0 =	sld [smem:$0x3F9C];
	_ =	swait.ge [sflag:s4], $0x0  }
0x19: {  	s7 =	sld [smem:$0x3F9D]  }
0x1a: {  	s8 =	sadd.s32 $0xFFFFE003, lr  }
0x1b: {  	s9 =	sadd.s32 $0xFFFFFEF7, lr;
	s5 =	simm.s32 $0xFFFFFFFF;
	p2 =	slt.u32 s8, $0xFFFFF086  }
0x1c: {  	p1 =	slt.u32 s9, $0xF7A;
	s5 =	simm.s32 @!p2 $0x0  }
0x1d: {  	s5 =	simm.s32 @p1 $0x1;
	p0 =	seq.s32 s7, s2  }
0x1e: {  	s7 =	smul.u32 @!p0 $0xF7A, s2;
	p2 =	seq.s32 @!p0 s5, $0x0  }
0x1f: {  	s9 =	smul.u32 $0xF7A, s1;
	s8 =	simm.s32 @!p0 $0x1BF5;
	p2 =	por !p2, p0  }
0x20: {  	[sflag:s8] =	ssyncset.s32 @!p0 $0xFFFFF086;
	s6 =	sadd.s32 @!p0 s3, s7;
	s7 =	simm.s32 @!p0 $0x108  }
0x21: {  	s3 =	sadd.s32 s3, s9;
	s6 =	sadd.s32 @!p0 $0x88, s6;
	s7 =	simm.s32 @p2 $0x1082  }
0x22: {  	[simem:s7], [sflag:s8] =	dma.local @!p0 [hbm:s6], $0xF7A  }
0x23: {  	s9 =	sor.u32 $0xD0000000, s2;
	s6 =	simm.s32 $0x108;
	_ =	swait.ge @!p0 [sflag:s8], $0x0  }
0x24: {  	s3 =	sadd.s32 $0x88, s3;
	s6 =	simm.s32 @!p1 $0x1082;
	[sflag:s4] =	ssyncset.s32 $0xFFFFF086  }
0x25: {  	[simem:s6], [sflag:s4] =	dma.local [hbm:s3], $0xF7A  }
0x26: {  	[smem:$0x3F9D] =	sst s1;
	(tag) =	ssettag s2;
	_ =	strace s9  }
0x27: {  	s1 =	sld [smem:$0x3FAD]  }
0x28: {  	s2 =	sld [smem:$0x3FAE]  }
0x29: {  	s4 =	sld [smem:$0x3FB0]  }
0x2a: {  	p0 =	seq.s32 s5, $0x0;
	s5 =	sld [smem:$0x3FB1]  }
0x2b: {  	s6 =	sld [smem:$0x3FB2]  }
0x2c: {  	s7 =	sld [smem:$0x3FB3]  }
0x2d: {  	s3 =	simm.s32 $0x108;
	s8 =	sld [smem:$0x3FB4]  }
0x2e: {  	s3 =	simm.s32 @!p0 $0x1082;
	s9 =	sld [smem:$0x3FB5]  }
0x2f: {  	lr =	sadd.s32 s0, s3;
	s0 =	sld [smem:$0x3FAC]  }
0x30: {  	s3 =	sld [smem:$0x3FAF]  }
0x31: {  	[smem:$0x3FB8] =	sst s10  }
0x32: {  	s10 =	sld [smem:$0x3FB6];
	_ =	sdelay $0x3  }
0x33: {  	p0 =	seq.s32 s10, $0x1;
	s10 =	sld [smem:$0x3FB8];
	_ =	sdelay $0x3  }
0x34: {  	[smem:$0x3FB8] =	sst s10  }
0x35: {  	s10 =	sld [smem:$0x3FB7];
	_ =	sdelay $0x3  }
0x36: {  	p1 =	seq.s32 s10, $0x1;
	s10 =	sld [smem:$0x3FB8];
	_ =	sdelay $0x3  }
0x37: {  	[smem:$0x3FB8] =	sst s10  }
0x38: {  	s10 =	sld [smem:$0x3FB9]  }
0x39: {  	_ = 	snop;
	(pc) =	sbr.ind lr, $3  }
0x3a: {  	_ = 	snop  }
0x3b: {  	_ = 	snop  }
0x3c: {  	p2 =	seq.s32 s10, $0x1;
	s10 =	sld [smem:$0x3FB8]  }
0x3d: {  	_ =	shalt  }
0x3e: {  	_ =	shalt  }
0x3f: {  	_ =	shalt  }
0x40: {  	_ =	shalt  }
0x41: {  	_ =	shalt  }
0x42: {  	_ =	shalt  }
0x43: {  	_ =	shalt  }
0x44: {  	_ =	shalt  }
0x45: {  	_ =	shalt  }
0x46: {  	_ =	shalt  }
0x47: {  	_ =	shalt  }
0x48: {  	_ =	shalt  }
0x49: {  	_ =	shalt  }
0x4a: {  	_ =	shalt  }
0x4b: {  	_ =	shalt  }
0x4c: {  	_ =	shalt  }
0x4d: {  	_ =	shalt  }
0x4e: {  	_ =	shalt  }
0x4f: {  	_ =	shalt  }
0x50: {  	_ =	shalt  }
0x51: {  	_ =	shalt  }
0x52: {  	_ =	shalt  }
0x53: {  	_ =	shalt  }
0x54: {  	_ =	shalt  }
0x55: {  	_ =	shalt  }
0x56: {  	_ =	shalt  }
0x57: {  	_ =	shalt  }
0x58: {  	_ =	shalt  }
0x59: {  	_ =	shalt  }
0x5a: {  	_ =	shalt  }
0x5b: {  	_ =	shalt  }
0x5c: {  	_ =	shalt  }
0x5d: {  	_ =	shalt  }
0x5e: {  	_ =	shalt  }
0x5f: {  	_ =	shalt  }
0x60: {  	_ =	shalt  }
0x61: {  	_ =	shalt  }
0x62: {  	_ =	shalt  }
0x63: {  	_ =	shalt  }
0x64: {  	_ =	shalt  }
0x65: {  	_ =	shalt  }
0x66: {  	_ =	shalt  }
0x67: {  	_ =	shalt  }
0x68: {  	_ =	shalt  }
0x69: {  	_ =	shalt  }
0x6a: {  	_ =	shalt  }
0x6b: {  	_ =	shalt  }
0x6c: {  	_ =	shalt  }
0x6d: {  	_ =	shalt  }
0x6e: {  	_ =	shalt  }
0x6f: {  	_ =	shalt  }
0x70: {  	_ =	shalt  }
0x71: {  	_ =	shalt  }
0x72: {  	_ =	shalt  }
0x73: {  	_ =	shalt  }
0x74: {  	_ =	shalt  }
0x75: {  	_ =	shalt  }
0x76: {  	_ =	shalt  }
0x77: {  	_ =	shalt  }
0x78: {  	_ =	shalt  }
0x79: {  	_ =	shalt  }
0x7a: {  	_ =	shalt  }
0x7b: {  	_ =	shalt  }
0x7c: {  	_ =	shalt  }
0x7d: {  	_ =	shalt  }
0x7e: {  	_ =	shalt  }
0x7f: {  	_ =	shalt  }
0x80: {  	_ =	shalt  }
0x81: {  	_ =	shalt  }
0x82: {  	_ =	shalt  }
0x83: {  	_ =	shalt  }
0x84: {  	_ =	shalt  }
0x85: {  	_ =	shalt  }
0x86: {  	_ =	shalt  }
0x87: {  	_ =	shalt  }
.Lfunc_end0:
.L_simem_size_0:
called_computation.1_lowered:
.L_overlay_start_0:
0x88: {  	s2 =	sld [smem:$0x3FD9]  }
0x89: {  	s3 =	sld [smem:$0x3FFE];
	_ =	sdelay $0x1  }
0x8a: {  	s1 =	srdreg.scid  }
0x8b: {  	s0 =	sand.u32 $0x1, s1  }
0x8c: {  	s17 =	sshll.u32 s0, $0xA;
	s2 =	sadd.s32 s3, s2  }
0x8d: {  	s2 =	sadd.s32 s2, s17  }
0x8e: {  	[smem:$0x3FC4] =	sst s2  }
0x8f: {  	_ = 	snop  }
0x90: {  	s2 =	sld [smem:$0x3FC8]  }
0x91: {  	s18 =	sld [smem:$0x3FC7]  }
0x92: {  	s4 =	sld [smem:$0x3FD0];
	(tm) =	ssettm $0x1  }
0x93: {  	s5 =	sld [smem:$0x3FFB];
	_ =	sdelay $0x3  }
0x94: {  	_ =	strace s5  }
0x95: {  	s5 =	sld [smem:$0x3FFC];
	_ =	sdelay $0x3  }
0x96: {  	_ =	strace s5  }
0x97: {  	s5 =	sld [smem:$0x3FFD];
	_ =	sdelay $0x3  }
0x98: {  	_ =	strace s5  }
0x99: {  	_ =	strace $0x8FFFFFFF  }
0x9a: {  	s19 =	sld [smem:$0x3FDB];
	_ =	sdelay $0x1  }
0x9b: {  	s6 =	simm.s32 $_scs_section_size  }
0x9c: {  	s7 =	simm.s32 $_size__tile_overlayer_lowered;
	s8 =	simm.s32 $_tile_overlayer_lowered  }
0x9d: {  	s22 =	simm.s32 $0x1BFF;
	s21 =	sshll.u32 s8, $0x1;
	s5 =	sadd.s32 s6, s19  }
0x9e: {  	s9 =	simm.s32 $0x0;
	s20 =	sshll.u32 s7, $0x1;
	s7 =	sadd.s32 s21, s5  }
0x9f: {  	[timem:s9], [sflag:s22] =	dma.local [hbm:s7], s20  }
0xa0: {  	_ =	swait.ge [sflag:s22], s20  }
0xa1: {  	s6 =	ssub.s32 $0x0, s20;
	[sflag:s22] =	ssyncset.done $0x0  }
0xa2: {  	[sflag:s22] =	ssyncadd.s32 s6;
	_ =	sdelay $0x1  }
0xa3: {  	s23 =	simm.s32 $0x1B8B  }
0xa4: {  	_ =	swait.ge [sflag:s23], $0x1  }
0xa5: {  	[sflag:s23] =	ssyncset.done $0x0  }
0xa6: {  	s25 =	simm.s32 $0x1B8E;
	s24 =	sld [smem:$0x3FFE];
	[sflag:s23] =	ssyncadd.s32 $0xFFFFFFFF  }
0xa7: {  	s26 =	simm.s32 $execute0_lowered;
	[smem:$0x3FD2] =	sst s25  }
0xa8: {  	s7 =	sshll.u32 s26, $0x1;
	_ =	strace $0x80000049;
	[dreg:$0x1] =	wrdreg $0xFFFFFFFF  }
0xa9: {  	s28 =	simm.s32 $_size_execute0_lowered;
	s5 =	sadd.s32 s5, s7;
	[dreg:$0x0] =	wrdreg $0x0  }
0xaa: {  	s7 =	sshll.u32 s28, $0x1;
	[dreg:$0x2] =	wrdreg s5  }
0xab: {  	[dreg:$0x3] =	wrdreg s7  }
0xac: {  	[dreg:$0x4] =	wrdreg $0xC0  }
0xad: {  	_ =	task [dreg:s9], $0x5FFFF  }
0xae: {  	[dreg:$0x1] =	wrdreg $0xFFFFFFFF  }
0xaf: {  	[dreg:$0x0] =	wrdreg $0x60  }
0xb0: {  	[dreg:$0x2] =	wrdreg s24  }
0xb1: {  	[dreg:$0x3] =	wrdreg s2  }
0xb2: {  	[dreg:$0x4] =	wrdreg s18  }
0xb3: {  	[dreg:$0x5] =	wrdreg s4  }
0xb4: {  	[dreg:$0x6] =	wrdreg $0x9  }
0xb5: {  	_ =	task.clear_ibuf [dreg:s9], $0x7FFFF;
	_ =	strace $0x90000049  }
0xb6: {  	s29 =	simm.s32 $0x9;
	_ =	strace $0x8000004B  }
0xb7: {  	_ =	swait.ge [sflag:s29], $0x1  }
0xb8: {  	[sflag:s29] =	ssyncadd.s32 $0xFFFFFFFF  }
0xb9: {  	_ =	strace $0x9000004B  }
0xba: {  	_ =	sfence  }
0xbb: {  	s30 =	sld [smem:$0x0];
	_ =	sdelay $0x2  }
0xbc: {  	s31 =	sshll.u32 s1, $0xD;
	s1 =	sshrl.u32 s1, $0x2  }
0xbd: {  	s3 =	sand.u32 $0x4000, s31;
	s1 =	sadd.s32 s1, s30  }
0xbe: {  	s0 =	sor.u32 s3, s0;
	s1 =	sshll.u32 s1, $0x11  }
0xbf: {  	s0 =	sor.u32 s1, s0  }
0xc0: {  	s0 =	sadd.s32 $0x8F2B, s0  }
0xc1: {  	[sflag:s0] =	ssyncadd.remote.s32 $0x1  }
0xc2: {  	_ =	sfence.sel $0xFFFF  }
0xc3: {  	[dreg:$0x0] =	wrdreg $0xFFFFFFFF;
	(pc) =	sbr.abs _section_cstart, $3  }
0xc4: {  	[dreg:$0x1] =	wrdreg $0xFFFFFFFF  }
0xc5: {  	_ =	task.clear_ibuf [dreg:s9], $0x2FFFF;
	_ =	strace $0x9FFFFFFF  }
0xc6: {  	(tm) =	ssettm $0x7FFFFFFF  }
0xc7: {  	_ =	shalt  }
tec
execute0_lowered:
.L_overlay_start_1:
0x0: {  	(tag) =	ssettag $0x1  }
0x1: {  	s0 =	rddreg [dreg:$0x0]  }
0x2: {  	s1 =	rddreg [dreg:$0x1]  }
0x3: {  	s8 =	rddreg [dreg:$0x2];
	s2 =	srdreg.scid  }
0x4: {  	s4 =	stileid.u32;
	s9 =	rddreg [dreg:$0x3];
	s12 =	simm.s32 $0x500  }
0x5: {  	s13 =	simm.s32 $0x80;
	s14 =	simm.s32 $0xA00;
	s15 =	simm.s32 $0xF00  }
0x6: {  	s16 =	simm.s32 $0xA80;
	s17 =	simm.s32 $0x2F00;
	s19 =	simm.s32 $0xB00  }
0x7: {  	s20 =	simm.s32 $0x4F00;
	s21 =	simm.s32 $0x1;
	s29 =	simm.s32 $0xD00  }
0x8: {  	s30 =	simm.s32 $0xCF00;
	s31 =	simm.s32 $0xD80;
	s18 =	simm.s32 $0x10F00  }
0x9: {  	s22 =	simm.s32 $0xE80;
	s23 =	simm.s32 $0x12F00;
	s24 =	simm.s32 $0x0  }
0xa: {  	s3 =	sand.u32 $0x1, s2;
	s4 =	sshll.u32 s4, $0x1;
	s2 =	simm.s32 $0x0  }
0xb: {  	s11 =	sor.u32 s3, s4;
	[smem:$0x7FF] =	sst s2;
	s26 =	ssub.s32 $0x2, s3  }
0xc: {  	s3 =	sadd.s32 $0x139000, s0;
	s0 =	simm.s32 $0xE00;
	s5 =	smul.u32 $0xA0, s11  }
.Ltmp0:
0xd: {  	_ =	strace $0x8000004A;
	s6 =	sshrl.u32 s26, $0x1;
	(pc) =	sbr.rel .LBB2_1-.Ltmp0, $4  }
0xe: {  	s7 =	smul.u32 $0x2800, s11;
	p0 =	seq.s32 s11, $0x1F;
	s11 =	simm.s32 $0x2  }
0xf: {  	s28 =	ssub.s32 s26, s6;
	s4 =	sadd.s32 s1, s5;
	s5 =	sadd.s32 s8, s5  }
0x10: {  	s6 =	sadd.s32 s9, s7;
	s7 =	sadd.s32 $0x1360, s1;
	s8 =	sadd.s32 $0x1360, s8  }
0x11: {  	s9 =	sadd.s32 $0x4D800, s9;
	s10 =	smax.u32 s28, $0x1;
	s1 =	simm.s32 $0xEF00  }
.LBB2_7:
0x12: {  	v0 =	vshll.u32 v0, $0x4  }
0x13: {  	v0 =	vadd.s32 v1, v0  }
0x14: {  	[tilespmem:s25+$0xA00] =	vst v0  }
0x15: {  	[tilespmem:s15], [sflag:$0x1] =	stream.indirect.gather [hbm4b:s3+s13], $0x40, s14, s13, $0xb8;
	[tilespmem:$0x14F00] =	vst v63  }
0x16: {  	_ = 	snop  }
0x17: {  	[tilespmem:s17], [sflag:$0x1] =	stream.indirect.gather [hbm4b:s3+s13], $0x40, s16, s13, $0xb8;
	[tilespmem:$0x14F00] =	vst v63  }
0x18: {  	s28 =	simm.s32 $0x40  }
0x19: {  	[tilespmem:s20], [sflag:$0x1] =	stream.indirect.gather [hbm4b:s3+s28], $0x40, s19, s28, $0xb8;
	[tilespmem:$0x14F00] =	vst v63  }
0x1a: {  	_ =	swait.ge [sflag:s21], $0x2000  }
0x1b: {  	[sflag:s21] =	ssyncset.done $0x0  }
0x1c: {  	[sflag:s21] =	ssyncadd.s32 $0xFFFFE000  }
0x1d: {  	_ =	swait.ge [sflag:s21], $0x2000  }
0x1e: {  	[sflag:s21] =	ssyncset.done $0x0  }
0x1f: {  	[sflag:s21] =	ssyncadd.s32 $0xFFFFE000  }
0x20: {  	_ =	swait.ge [sflag:s21], $0x1000  }
0x21: {  	[sflag:s21] =	ssyncset.done $0x0  }
0x22: {  	[sflag:s21] =	ssyncadd.s32 $0xFFFFF000  }
0x23: {  	[hbm4b:s9+s2] =	stream.linear.scatter [tilespmem:s15], [sflag:$0x2], $0x5000, $0x38;
	[tilespmem:$0x14F00] =	vst v63  }
0x24: {  	_ =	swait.ge [sflag:s11], $0x5000  }
0x25: {  	[sflag:s11] =	ssyncset.done $0x0  }
0x26: {  	[sflag:s11] =	ssyncadd.s32 $0xFFFFB000  }
.LBB2_8:
0x27: {  	s24 =	sadd.s32 $0x1, s24  }
0x28: {  	p1 =	sne.s32 s24, s10  }
.Ltmp1:
0x29: {  	_ = 	snop;
	(pc) =	sbr.rel @!p1 .LBB2_9-.Ltmp1, $1  }
0x2a: {  	_ =	sdelay $0x3  }
.LBB2_1:
.Ltmp2:
0x2b: {  	(pc) =	sbr.rel @!p0 .LBB2_2-.Ltmp2, $2  }
0x2c: {  	_ =	sdelay $0x2  }
0x2d: {  	s25 =	simm.s32 $0x0  }
0x2e: {  	[tilespmem:s25], [sflag:$0x2] =	stream.linear.gather [hbm4b:s7+s25], $0x140, $0x38;
	[tilespmem:$0x14F00] =	vst v63  }
0x2f: {  	_ =	swait.ge [sflag:s11], $0x140  }
0x30: {  	[sflag:s11] =	ssyncset.done $0x0  }
0x31: {  	[sflag:s11] =	ssyncadd.s32 $0xFFFFFEC0  }
0x32: {  	[tilespmem:s12], [sflag:$0x2] =	stream.linear.gather [hbm4b:s8+s25], $0x140, $0x38;
	[tilespmem:$0x14F00] =	vst v63  }
0x33: {  	_ =	swait.ge [sflag:s11], $0x140  }
0x34: {  	[sflag:s11] =	ssyncset.done $0x0  }
0x35: {  	s25 =	simm.s32 $0x0;
	[sflag:s11] =	ssyncadd.s32 $0xFFFFFEC0  }
0x36: {  	v0 =	vld [tilespmem:s25+$0x0]  }
0x37: {  	s26 =	simm.s32 $0x40;
	v1 =	vld [tilespmem:s25+$0x500]  }
.LBB2_6:
0x38: {  	p1 =	sne.s32 s26, $0x4C0  }
.Ltmp3:
0x39: {  	_ = 	snop;
	(pc) =	sbr.rel @p1 .LBB2_6-.Ltmp3, $4  }
0x3a: {  	_ = 	snop  }
0x3b: {  	s28 =	sshra.s32 s26, $0x2;
	s26 =	sadd.s32 $0x40, s26;
	v2 =	vshll.u32 v0, $0x4  }
0x3c: {  	v0 =	vld [tilespmem:s28+$0x0];
	v2 =	vadd.s32 v1, v2  }
0x3d: {  	v1 =	vld [tilespmem:s28+$0x500];
	[tilespmem:s25+$0xA00] =	vst v2;
	s25 =	smov.u32 s28  }
.Ltmp4:
0x3e: {  	_ = 	snop;
	(pc) =	sbr.rel .LBB2_7-.Ltmp4, $1  }
0x3f: {  	_ =	sdelay $0x3  }
.LBB2_2:
0x40: {  	[tilespmem:s25], [sflag:$0x2] =	stream.linear.gather [hbm4b:s4+s25], $0x500, $0x38;
	[tilespmem:$0x14F00] =	vst v63  }
0x41: {  	_ =	swait.ge [sflag:s11], $0x500  }
0x42: {  	[sflag:s11] =	ssyncset.done $0x0  }
0x43: {  	[sflag:s11] =	ssyncadd.s32 $0xFFFFFB00  }
0x44: {  	[tilespmem:s12], [sflag:$0x2] =	stream.linear.gather [hbm4b:s5+s25], $0x500, $0x38;
	[tilespmem:$0x14F00] =	vst v63  }
0x45: {  	_ =	swait.ge [sflag:s11], $0x500  }
0x46: {  	[sflag:s11] =	ssyncset.done $0x0  }
0x47: {  	s25 =	simm.s32 $0x0;
	[sflag:s11] =	ssyncadd.s32 $0xFFFFFB00  }
0x48: {  	v0 =	vld [tilespmem:s25+$0x0]  }
0x49: {  	s26 =	simm.s32 $0x40;
	v1 =	vld [tilespmem:s25+$0x500]  }
.LBB2_3:
0x4a: {  	p1 =	sne.s32 s26, $0x13C0  }
.Ltmp5:
0x4b: {  	_ = 	snop;
	(pc) =	sbr.rel @p1 .LBB2_3-.Ltmp5, $4  }
0x4c: {  	_ = 	snop  }
0x4d: {  	s28 =	sshra.s32 s26, $0x2;
	s26 =	sadd.s32 $0x40, s26;
	v2 =	vshll.u32 v0, $0x4  }
0x4e: {  	v0 =	vld [tilespmem:s28+$0x0];
	v2 =	vadd.s32 v1, v2  }
0x4f: {  	v1 =	vld [tilespmem:s28+$0x500];
	[tilespmem:s25+$0xA00] =	vst v2;
	s25 =	smov.u32 s28  }
0x50: {  	_ =	sdelay $0x2  }
0x51: {  	v0 =	vshll.u32 v0, $0x4  }
0x52: {  	v0 =	vadd.s32 v1, v0  }
0x53: {  	[tilespmem:s25+$0xA00] =	vst v0  }
0x54: {  	[tilespmem:s15], [sflag:$0x1] =	stream.indirect.gather [hbm4b:s3+s13], $0x40, s14, s13, $0xb8;
	[tilespmem:$0x14F00] =	vst v63  }
0x55: {  	_ = 	snop  }
0x56: {  	[tilespmem:s17], [sflag:$0x1] =	stream.indirect.gather [hbm4b:s3+s13], $0x40, s16, s13, $0xb8;
	[tilespmem:$0x14F00] =	vst v63  }
0x57: {  	_ = 	snop  }
0x58: {  	[tilespmem:s20], [sflag:$0x1] =	stream.indirect.gather [hbm4b:s3+s13], $0x40, s19, s13, $0xb8;
	[tilespmem:$0x14F00] =	vst v63  }
0x59: {  	s28 =	simm.s32 $0xB80;
	s26 =	simm.s32 $0x6F00  }
0x5a: {  	[tilespmem:s26], [sflag:$0x1] =	stream.indirect.gather [hbm4b:s3+s13], $0x40, s28, s13, $0xb8;
	[tilespmem:$0x14F00] =	vst v63  }
0x5b: {  	s26 =	simm.s32 $0xC00;
	s28 =	simm.s32 $0x8F00  }
0x5c: {  	[tilespmem:s28], [sflag:$0x1] =	stream.indirect.gather [hbm4b:s3+s13], $0x40, s26, s13, $0xb8;
	[tilespmem:$0x14F00] =	vst v63  }
0x5d: {  	s26 =	simm.s32 $0xC80;
	s28 =	simm.s32 $0xAF00  }
0x5e: {  	[tilespmem:s28], [sflag:$0x1] =	stream.indirect.gather [hbm4b:s3+s13], $0x40, s26, s13, $0xb8;
	[tilespmem:$0x14F00] =	vst v63  }
0x5f: {  	_ = 	snop  }
0x60: {  	[tilespmem:s30], [sflag:$0x1] =	stream.indirect.gather [hbm4b:s3+s13], $0x40, s29, s13, $0xb8;
	[tilespmem:$0x14F00] =	vst v63  }
0x61: {  	_ = 	snop  }
0x62: {  	[tilespmem:s1], [sflag:$0x1] =	stream.indirect.gather [hbm4b:s3+s13], $0x40, s31, s13, $0xb8;
	[tilespmem:$0x14F00] =	vst v63  }
0x63: {  	_ = 	snop  }
0x64: {  	[tilespmem:s18], [sflag:$0x1] =	stream.indirect.gather [hbm4b:s3+s13], $0x40, s0, s13, $0xb8;
	[tilespmem:$0x14F00] =	vst v63  }
0x65: {  	_ = 	snop  }
0x66: {  	[tilespmem:s23], [sflag:$0x1] =	stream.indirect.gather [hbm4b:s3+s13], $0x40, s22, s13, $0xb8;
	[tilespmem:$0x14F00] =	vst v63  }
0x67: {  	_ =	swait.ge [sflag:s21], $0x2000  }
0x68: {  	[sflag:s21] =	ssyncset.done $0x0  }
0x69: {  	[sflag:s21] =	ssyncadd.s32 $0xFFFFE000  }
0x6a: {  	_ =	swait.ge [sflag:s21], $0x2000  }
0x6b: {  	[sflag:s21] =	ssyncset.done $0x0  }
0x6c: {  	[sflag:s21] =	ssyncadd.s32 $0xFFFFE000  }
0x6d: {  	_ =	swait.ge [sflag:s21], $0x2000  }
0x6e: {  	[sflag:s21] =	ssyncset.done $0x0  }
0x6f: {  	[sflag:s21] =	ssyncadd.s32 $0xFFFFE000  }
0x70: {  	_ =	swait.ge [sflag:s21], $0x2000  }
0x71: {  	[sflag:s21] =	ssyncset.done $0x0  }
0x72: {  	[sflag:s21] =	ssyncadd.s32 $0xFFFFE000  }
0x73: {  	_ =	swait.ge [sflag:s21], $0x2000  }
0x74: {  	[sflag:s21] =	ssyncset.done $0x0  }
0x75: {  	[sflag:s21] =	ssyncadd.s32 $0xFFFFE000  }
0x76: {  	_ =	swait.ge [sflag:s21], $0x2000  }
0x77: {  	[sflag:s21] =	ssyncset.done $0x0  }
0x78: {  	[sflag:s21] =	ssyncadd.s32 $0xFFFFE000  }
0x79: {  	_ =	swait.ge [sflag:s21], $0x2000  }
0x7a: {  	[sflag:s21] =	ssyncset.done $0x0  }
0x7b: {  	[sflag:s21] =	ssyncadd.s32 $0xFFFFE000  }
0x7c: {  	_ =	swait.ge [sflag:s21], $0x2000  }
0x7d: {  	[sflag:s21] =	ssyncset.done $0x0  }
0x7e: {  	[sflag:s21] =	ssyncadd.s32 $0xFFFFE000  }
0x7f: {  	_ =	swait.ge [sflag:s21], $0x2000  }
0x80: {  	[sflag:s21] =	ssyncset.done $0x0  }
0x81: {  	[sflag:s21] =	ssyncadd.s32 $0xFFFFE000  }
0x82: {  	_ =	swait.ge [sflag:s21], $0x2000  }
0x83: {  	[sflag:s21] =	ssyncset.done $0x0  }
.Ltmp6:
0x84: {  	[sflag:s21] =	ssyncadd.s32 $0xFFFFE000;
	(pc) =	sbr.rel .LBB2_8-.Ltmp6, $4  }
0x85: {  	[hbm4b:s6+s2] =	stream.linear.scatter [tilespmem:s15], [sflag:$0x2], $0x14000, $0x38;
	[tilespmem:$0x14F00] =	vst v63  }
0x86: {  	_ =	swait.ge [sflag:s11], $0x14000  }
0x87: {  	[sflag:s11] =	ssyncset.done $0x0  }
0x88: {  	[sflag:s11] =	ssyncadd.s32 $0xFFFEC000  }
.LBB2_9:
0x89: {  	_ =	sfence.sel $0x180000  }
0x8a: {  	[bflag:$0x0] =	sbarrier.arrive $0xFFFF  }
0x8b: {  	_ =	strace $0x9000004A  }
0x8c: {  	s0 =	stileid.u32;
	[bflag:$0x2] =	sbarrier.arrive $0xFFFF  }
0x8d: {  	p0 =	sne.s32 s0, $0x0;
	s0 =	rddreg [dreg:$0x4]  }
0x8e: {  	s0 =	sadd.s32 @!p0 $0x100000, s0  }
0x8f: {  	[sflag:s0] =	ssyncadd.tile.s32 @!p0 $0x1;
	_ =	shalt  }
.Lfunc_end2:
_tile_overlayer_lowered:
.L_overlay_start_2:
0x90: {  	(tag) =	ssettag $0x2  }
0x91: {  	s0 =	rddreg [dreg:$0x0];
	s2 =	stileid.u32  }
0x92: {  	s1 =	rddreg [dreg:$0x1];
	p0 =	sne.s32 s2, $0x0  }
0x93: {  	s3 =	rddreg [dreg:$0x2];
	[bflag:$0x3] =	sbarrier.arrive $0xFFFF;
	s2 =	simm.s32 @!p0 $0x1C02  }
0x94: {  	[timem:s3], [sflag:s2] =	dma.local @!p0 [hbm:s0], s1  }
0x95: {  	s0 =	simm.s32 @!p0 $0x2  }
0x96: {  	_ =	swait.ge @!p0 [sflag:s0], s1  }
0x97: {  	s1 =	ssub.s32 @!p0 $0x0, s1;
	[sflag:s0] =	ssyncset.done @!p0 $0x0  }
0x98: {  	[sflag:s0] =	ssyncadd.s32 @!p0 s1  }
0x99: {  	[bflag:$0x3] =	sbarrier.arrive $0xFFFF  }
0x9a: {  	_ =	shalt  }

// kernel: sparse-core-data-format-call.cloned.1.call-start
scs
called_computation_lowered:
.L_overlay_start_0:
0x0: {  	s1 =	sld [smem:$0x3FD9]  }
0x1: {  	s2 =	sld [smem:$0x3FFE];
	_ =	sdelay $0x1  }
0x2: {  	s3 =	srdreg.scid  }
0x3: {  	s0 =	sand.u32 $0x1, s3  }
0x4: {  	s17 =	sshll.u32 s0, $0xA;
	s1 =	sadd.s32 s2, s1  }
0x5: {  	s1 =	sadd.s32 s1, s17  }
0x6: {  	[smem:$0x3FC4] =	sst s1  }
0x7: {  	_ = 	snop  }
0x8: {  	(tm) =	ssettm $0x1  }
0x9: {  	s18 =	sld [smem:$0x3FFB];
	_ =	sdelay $0x3  }
0xa: {  	_ =	strace s18  }
0xb: {  	s1 =	sld [smem:$0x3FFC];
	_ =	sdelay $0x3  }
0xc: {  	_ =	strace s1  }
0xd: {  	s1 =	sld [smem:$0x3FFD];
	_ =	sdelay $0x3  }
0xe: {  	_ =	strace s1  }
0xf: {  	_ =	strace $0x8FFFFFFF  }
0x10: {  	s19 =	sld [smem:$0x3FDB];
	_ =	sdelay $0x1  }
0x11: {  	s20 =	simm.s32 $_scs_section_size  }
0x12: {  	s4 =	simm.s32 $_size__tile_overlayer_lowered;
	s5 =	simm.s32 $_tile_overlayer_lowered  }
0x13: {  	s23 =	simm.s32 $0x1BFF;
	s22 =	sshll.u32 s5, $0x1;
	s1 =	sadd.s32 s20, s19  }
0x14: {  	s6 =	simm.s32 $0x0;
	s21 =	sshll.u32 s4, $0x1;
	s4 =	sadd.s32 s22, s1  }
0x15: {  	[timem:s6], [sflag:s23] =	dma.local [hbm:s4], s21  }
0x16: {  	_ =	swait.ge [sflag:s23], s21  }
0x17: {  	s2 =	ssub.s32 $0x0, s21;
	[sflag:s23] =	ssyncset.done $0x0  }
0x18: {  	[sflag:s23] =	ssyncadd.s32 s2;
	_ =	sdelay $0x1  }
0x19: {  	s24 =	simm.s32 $0x1B8B  }
0x1a: {  	_ =	swait.ge [sflag:s24], $0x1  }
0x1b: {  	[sflag:s24] =	ssyncset.done $0x0  }
0x1c: {  	s26 =	simm.s32 $0x1B8E;
	s25 =	sld [smem:$0x3FFE];
	[sflag:s24] =	ssyncadd.s32 $0xFFFFFFFF  }
0x1d: {  	s27 =	simm.s32 $execute0_lowered;
	[smem:$0x3FD2] =	sst s26  }
0x1e: {  	s4 =	sshll.u32 s27, $0x1;
	_ =	strace $0x80000046;
	[dreg:$0x1] =	wrdreg $0xFFFFFFFF  }
0x1f: {  	s28 =	simm.s32 $_size_execute0_lowered;
	s1 =	sadd.s32 s1, s4;
	[dreg:$0x0] =	wrdreg $0x0  }
0x20: {  	s4 =	sshll.u32 s28, $0x1;
	[dreg:$0x2] =	wrdreg s1  }
0x21: {  	[dreg:$0x3] =	wrdreg s4  }
0x22: {  	[dreg:$0x4] =	wrdreg $0xC0  }
0x23: {  	_ =	task [dreg:s6], $0x5FFFF  }
0x24: {  	[dreg:$0x1] =	wrdreg $0xFFFFFFFF  }
0x25: {  	[dreg:$0x0] =	wrdreg $0x60  }
0x26: {  	[dreg:$0x2] =	wrdreg s25  }
0x27: {  	[dreg:$0x3] =	wrdreg $0x9  }
0x28: {  	_ =	task.clear_ibuf [dreg:s6], $0x4FFFF;
	_ =	strace $0x90000046  }
0x29: {  	s29 =	simm.s32 $0x9;
	_ =	strace $0x80000048  }
0x2a: {  	_ =	swait.ge [sflag:s29], $0x1  }
0x2b: {  	[sflag:s29] =	ssyncadd.s32 $0xFFFFFFFF  }
0x2c: {  	_ =	strace $0x90000048  }
0x2d: {  	_ =	sfence  }
0x2e: {  	s30 =	sld [smem:$0x0];
	_ =	sdelay $0x2  }
0x2f: {  	s31 =	sshll.u32 s3, $0xD;
	s3 =	sshrl.u32 s3, $0x2  }
0x30: {  	s2 =	sand.u32 $0x4000, s31;
	s1 =	sadd.s32 s3, s30  }
0x31: {  	s0 =	sor.u32 s2, s0;
	s1 =	sshll.u32 s1, $0x11  }
0x32: {  	s0 =	sor.u32 s1, s0  }
0x33: {  	s0 =	sadd.s32 $0x8F2B, s0  }
0x34: {  	[sflag:s0] =	ssyncadd.remote.s32 $0x1  }
0x35: {  	_ =	sfence.sel $0xFFFF  }
0x36: {  	[dreg:$0x0] =	wrdreg $0xFFFFFFFF;
	(pc) =	sbr.abs _section_cstart, $3  }
0x37: {  	[dreg:$0x1] =	wrdreg $0xFFFFFFFF  }
0x38: {  	_ =	task.clear_ibuf [dreg:s6], $0x2FFFF;
	_ =	strace $0x9FFFFFFF  }
0x39: {  	(tm) =	ssettm $0x7FFFFFFF  }
tec
execute0_lowered:
.L_overlay_start_1:
0x0: {  	(tag) =	ssettag $0x1  }
0x1: {  	s0 =	srdreg.scid  }
0x2: {  	s1 =	sshll.u32 s0, $0x4  }
0x3: {  	s4 =	rddreg [dreg:$0x0];
	s0 =	stileid.u32;
	s1 =	sand.u32 $0x10, s1  }
0x4: {  	s7 =	simm.s32 $0x1;
	s8 =	simm.s32 $0x2;
	s1 =	sor.u32 s0, s1  }
0x5: {  	s9 =	simm.s32 $0x0;
	s12 =	simm.s32 $0x0;
	s2 =	sshll.u32 s1, $0x1  }
0x6: {  	s11 =	simm.s32 $0x0;
	s3 =	sadd.s32 $0x800, s4;
	s6 =	ssub.s32 $0x4E2, s2  }
.Ltmp0:
0x7: {  	s4 =	sadd.s32 $0x139000, s4;
	s5 =	sand.u32 $0x3E, s6;
	(pc) =	sbr.rel .LBB1_1-.Ltmp0, $4  }
0x8: {  	s1 =	rddreg [dreg:$0x1];
	_ =	strace $0x80000047;
	p0 =	sne.s32 s5, $0x0  }
0x9: {  	s6 =	sshrl.u32 s6, $0x6;
	s5 =	simm.s32 $0x1;
	s7 =	simm.s32 @!p0 $0x0  }
0xa: {  	s10 =	smov.u32 s2;
	[sflag:s5] =	ssyncpa.u1 $0x0;
	s6 =	sadd.s32 s7, s6  }
0xb: {  	[sflag:s8] =	ssyncpa.u1 $0x0;
	s8 =	simm.s32 $0x0;
	s7 =	sadd.s32 $0x1, s6  }
.LBB1_9:
0xc: {  	s14 =	sadd.s32 $0x40, s10  }
0xd: {  	p1 =	sgt.s32 s14, $0x4E1  }
0xe: {  	s14 =	smov.u32 @p1 s2;
	p1 =	sne.s32 s11, s7  }
.Ltmp1:
0xf: {  	p0 =	slt.u32 s11, $0x2;
	(pc) =	sbr.rel @!p1 .LBB1_10-.Ltmp1, $4  }
0x10: {  	s13 =	simm.s32 @!p0 $0x2  }
0x11: {  	s15 =	sadd.s32 $0x1, s11;
	_ =	swait.ge @!p0 [sflag:s13], $0x4000  }
0x12: {  	s12 =	smov.u32 s10;
	s9 =	sadd.s32 $0x4000, s9;
	[sflag:s13] =	ssyncset.done @!p0 $0x0  }
0x13: {  	s11 =	smov.u32 s15;
	s10 =	smov.u32 s14;
	[sflag:s13] =	ssyncadd.s32 @!p0 $0xFFFFC000  }
.LBB1_1:
0x14: {  	p0 =	sge.u32 s11, s6  }
0x15: {  	s13 =	sxor.u32 @!p0 $0xFFFFFFFF, s11  }
0x16: {  	s31 =	sadd.s32 $0xFFFFFFFF, s11;
	s14 =	sshll.u32 @!p0 s10, $0xA;
	s13 =	sshll.u32 @!p0 s13, $0xE  }
0x17: {  	s15 =	simm.s32 @!p0 $0x0;
	s14 =	sadd.s32 @!p0 s3, s14;
	s13 =	sand.u32 @!p0 $0x4000, s13  }
0x18: {  	[tilespmem:s13], [sflag:$0x1] =	stream.linear.gather @!p0 [hbm4b:s14+s15], $0x4000, $0x38;
	[tilespmem:$0x10000] =	vst v63  }
0x19: {  	p0 =	sge.u32 s31, s6  }
.Ltmp2:
0x1a: {  	_ = 	snop;
	(pc) =	sbr.rel @p0 .LBB1_9-.Ltmp2, $1  }
0x1b: {  	_ =	sdelay $0x3  }
0x1c: {  	s13 =	sshll.u32 s9, $0x2  }
0x1d: {  	_ =	swait.ge [sflag:s5], $0x4000;
	s14 =	sshll.u32 s11, $0xE;
	s16 =	simm.s32 $0x0  }
0x1e: {  	p1 =	por $0x1, $0x1;
	s13 =	sand.u32 $0x10000, s13;
	[sflag:s5] =	ssyncset.done $0x0  }
0x1f: {  	s14 =	sand.u32 $0x4000, s14;
	s15 =	sshrl.u32 s13, $0x2;
	[sflag:s5] =	ssyncadd.s32 $0xFFFFC000  }
0x20: {  	s13 =	sor.u32 $0x8000, s14;
	s14 =	sadd.s32 $0x8040, s15;
	s15 =	sadd.s32 $0x40, s15  }
.LBB1_3:
0x21: {  	s16 =	sshll.u32 s16, $0x2  }
0x22: {  	p0 =	por p1, p1;
	s17 =	sshra.s32 s16, $0x2  }
0x23: {  	s18 =	simm.s32 $0x0;
	s16 =	sadd.s32 s17, s14;
	s17 =	sadd.s32 s17, s15  }
.LBB1_4:
0x24: {  	v0 =	vmov s17;
	_ =	sdelay $0x3  }
0x25: {  	s20 =	simm.s32 $0x0  }
0x26: {  	v6 =	vld.idx.msk [tilespmem:v0+s20+$0x30 ss:$0x1], $0xffff  }
0x27: {  	v7 =	vld.idx.msk [tilespmem:v0+s20+$0xFFFFFFC0 ss:$0x1], $0xffff  }
0x28: {  	v5 =	vld.idx.msk [tilespmem:v0+s20+$0xFFFFFFD0 ss:$0x1], $0xffff  }
0x29: {  	v4 =	vld.idx.msk [tilespmem:v0+s20+$0xFFFFFFE0 ss:$0x1], $0xffff  }
0x2a: {  	v3 =	vld.idx.msk [tilespmem:v0+s20+$0xFFFFFFF0 ss:$0x1], $0xffff  }
0x2b: {  	v1 =	vld.idx.msk [tilespmem:v0+s20+$0x0 ss:$0x1], $0xffff  }
0x2c: {  	v2 =	vld.idx.msk [tilespmem:v0+s20+$0x10 ss:$0x1], $0xffff;
	[tilespmem:s16+$0x30] =	vst v6  }
0x2d: {  	s19 =	simm.s32 $0x80;
	s21 =	simm.s32 $0x400;
	[tilespmem:s16+$0xFFFFFFC0] =	vst v7;
	v6 =	vld.idx.msk [tilespmem:v0+s20+$0x20 ss:$0x1], $0xffff;
	s20 =	smov.u32 s16  }
.LBB1_5:
0x2e: {  	p1 =	sne.s32 s21, $0xE00;
	v7 =	vld.idx.msk [tilespmem:v0+s19+$0x30 ss:$0x1], $0xffff;
	[tilespmem:s20+$0xFFFFFFD0] =	vst v5  }
0x2f: {  	v8 =	vld.idx.msk [tilespmem:v0+s19+$0xFFFFFFC0 ss:$0x1], $0xffff;
	[tilespmem:s20+$0xFFFFFFE0] =	vst v4  }
0x30: {  	v5 =	vld.idx.msk [tilespmem:v0+s19+$0xFFFFFFD0 ss:$0x1], $0xffff;
	[tilespmem:s20+$0xFFFFFFF0] =	vst v3  }
.Ltmp3:
0x31: {  	v4 =	vld.idx.msk [tilespmem:v0+s19+$0xFFFFFFE0 ss:$0x1], $0xffff;
	[tilespmem:s20+$0x0] =	vst v1;
	(pc) =	sbr.rel @p1 .LBB1_5-.Ltmp3, $4  }
0x32: {  	v3 =	vld.idx.msk [tilespmem:v0+s19+$0xFFFFFFF0 ss:$0x1], $0xffff;
	[tilespmem:s20+$0x10] =	vst v2  }
0x33: {  	v1 =	vld.idx.msk [tilespmem:v0+s19+$0x0 ss:$0x1], $0xffff;
	[tilespmem:s20+$0x20] =	vst v6;
	s20 =	sadd.s32 $0x400, s20  }
0x34: {  	v2 =	vld.idx.msk [tilespmem:v0+s19+$0x10 ss:$0x1], $0xffff;
	[tilespmem:s20+$0x30] =	vst v7  }
0x35: {  	[tilespmem:s20+$0xFFFFFFC0] =	vst v8;
	v6 =	vld.idx.msk [tilespmem:v0+s19+$0x20 ss:$0x1], $0xffff;
	s19 =	sshra.s32 s21, $0x2;
	s21 =	sadd.s32 $0x200, s21  }
0x36: {  	_ =	sdelay $0x2  }
0x37: {  	[tilespmem:s20+$0xFFFFFFD0] =	vst v5  }
0x38: {  	v56 =	vld.idx.msk [tilespmem:v0+s19+$0x30 ss:$0x1], $0xffff;
	[tilespmem:s20+$0xFFFFFFE0] =	vst v4  }
0x39: {  	v57 =	vld.idx.msk [tilespmem:v0+s19+$0xFFFFFFC0 ss:$0x1], $0xffff;
	[tilespmem:s20+$0xFFFFFFF0] =	vst v3  }
0x3a: {  	v58 =	vld.idx.msk [tilespmem:v0+s19+$0xFFFFFFD0 ss:$0x1], $0xffff;
	[tilespmem:s20+$0x0] =	vst v1  }
0x3b: {  	v59 =	vld.idx.msk [tilespmem:v0+s19+$0xFFFFFFE0 ss:$0x1], $0xffff;
	[tilespmem:s20+$0x10] =	vst v2  }
0x3c: {  	v60 =	vld.idx.msk [tilespmem:v0+s19+$0xFFFFFFF0 ss:$0x1], $0xffff;
	s31 =	sadd.s32 $0x400, s20;
	[tilespmem:s20+$0x20] =	vst v6  }
0x3d: {  	v61 =	vld.idx.msk [tilespmem:v0+s19+$0x0 ss:$0x1], $0xffff;
	[tilespmem:s31+$0x30] =	vst v56  }
0x3e: {  	v62 =	vld.idx.msk [tilespmem:v0+s19+$0x10 ss:$0x1], $0xffff;
	s18 =	sadd.s32 $0x1, s18;
	[tilespmem:s31+$0xFFFFFFC0] =	vst v57  }
0x3f: {  	v63 =	vld.idx.msk [tilespmem:v0+s19+$0x20 ss:$0x1], $0xffff;
	p1 =	sne.s32 s18, $0x8;
	[tilespmem:s31+$0xFFFFFFD0] =	vst v58  }
.Ltmp4:
0x40: {  	[tilespmem:s31+$0xFFFFFFE0] =	vst v59;
	(pc) =	sbr.rel @p1 .LBB1_4-.Ltmp4, $4  }
0x41: {  	[tilespmem:s31+$0xFFFFFFF0] =	vst v60  }
0x42: {  	[tilespmem:s31+$0x0] =	vst v61  }
0x43: {  	[tilespmem:s31+$0x10] =	vst v62  }
0x44: {  	s16 =	sadd.s32 $0x80, s16;
	s17 =	sadd.s32 $0x400, s17;
	[tilespmem:s31+$0x20] =	vst v63  }
.Ltmp5:
0x45: {  	(pc) =	sbr.rel @p0 .LBB1_3-.Ltmp5, $2  }
0x46: {  	_ =	sdelay $0x2  }
0x47: {  	s16 =	simm.s32 $0x2000;
	p1 =	por $0x0, $0x0  }
.Ltmp6:
0x48: {  	(pc) =	sbr.rel .LBB1_9-.Ltmp6, $4  }
0x49: {  	_ = 	snop  }
0x4a: {  	s12 =	sshll.u32 s12, $0xA  }
0x4b: {  	s12 =	sadd.s32 s4, s12  }
0x4c: {  	[hbm4b:s12+s8] =	stream.linear.scatter [tilespmem:s13], [sflag:$0x2], $0x4000, $0x38;
	[tilespmem:$0x10000] =	vst v63  }
.LBB1_10:
0x4d: {  	_ =	sfence.sel $0x180000  }
0x4e: {  	s2 =	simm.s32 $0x1;
	[bflag:$0x0] =	sbarrier.arrive $0xFFFF  }
0x4f: {  	s31 =	simm.s32 $0x2;
	[sflag:s2] =	ssyncpa.u1 $0x1  }
0x50: {  	[sflag:s31] =	ssyncpa.u1 $0x1  }
0x51: {  	p0 =	sne.s32 s0, $0x0;
	_ =	strace $0x90000047  }
0x52: {  	s0 =	sadd.s32 @!p0 $0x100000, s1;
	[bflag:$0x2] =	sbarrier.arrive $0xFFFF  }
0x53: {  	[sflag:s0] =	ssyncadd.tile.s32 @!p0 $0x1;
	_ =	shalt  }
.Lfunc_end1:
_tile_overlayer_lowered:
.L_overlay_start_2:
0x54: {  	(tag) =	ssettag $0x2  }
0x55: {  	s0 =	rddreg [dreg:$0x0];
	s2 =	stileid.u32  }
0x56: {  	s1 =	rddreg [dreg:$0x1];
	p0 =	sne.s32 s2, $0x0  }
0x57: {  	s3 =	rddreg [dreg:$0x2];
	[bflag:$0x3] =	sbarrier.arrive $0xFFFF;
	s2 =	simm.s32 @!p0 $0x1C01  }
0x58: {  	[timem:s3], [sflag:s2] =	dma.local @!p0 [hbm:s0], s1  }
0x59: {  	s0 =	simm.s32 @!p0 $0x1  }
0x5a: {  	_ =	swait.ge @!p0 [sflag:s0], s1  }
0x5b: {  	s1 =	ssub.s32 @!p0 $0x0, s1;
	[sflag:s0] =	ssyncset.done @!p0 $0x0  }
0x5c: {  	[sflag:s0] =	ssyncadd.s32 @!p0 s1  }
0x5d: {  	[bflag:$0x3] =	sbarrier.arrive $0xFFFF  }
0x5e: {  	_ =	shalt  }

</sc_bundles>
